<compile_context>
chip_gen: v7x
topology: tpu7x:2x2x1
jax: 0.10.2.dev20260603
libtpu: 0.0.44.dev20260713+nightly
codegen_flags: <defaults>
</compile_context>

<pallas_src>
import functools

import jax
import jax.numpy as jnp
from jax import lax
from jax.experimental import pallas as pl
from jax.experimental.pallas import tpu as pltpu
from jax.experimental.pallas import tpu_sc as plsc

_NU = 10000
_H = 128
_NC = 2
_NS = 16
_NW = _NC * _NS
_RPB = 128
_UPT = 624


def _worker_span(wid, n_blocks):
    base = n_blocks // _NW
    extra = n_blocks - base * _NW
    nblk = base + jnp.where(wid < extra, 1, 0)
    start = base * wid + jnp.minimum(wid, extra)
    return start, nblk


def _rel_chunks():
    chunks, off, left = [], 0, _UPT
    while left > 0:
        ln = min(left, _RPB)
        chunks.append((off, ln))
        off += ln
        left -= ln
    return chunks


_TAIL = _NU - _NS * _UPT


def _sim_exp_body(u_ref, s_ref, ids_ref, wq_ref, wk_ref, y_ref, e_ref,
                  idx_ref):
    u = u_ref[...]
    q = jnp.dot(u, wq_ref[...], preferred_element_type=jnp.float32)
    k = jnp.dot(s_ref[...], wk_ref[...], preferred_element_type=jnp.float32)
    e = jnp.exp(jnp.sum(q * k, axis=1))
    y_ref[...] = u * e[:, None]
    e_ref[...] = e
    lane = lax.broadcasted_iota(jnp.int32, idx_ref.shape, 1)
    idx_ref[...] = ids_ref[...][:, None] * _H + lane


def _sim_exp(u, s, ids, wq, wk, bn):
    n = u.shape[0]
    return pl.pallas_call(
        _sim_exp_body,
        grid=(n // bn,),
        in_specs=[
            pl.BlockSpec((bn, _H), lambda i: (i, 0)),
            pl.BlockSpec((bn, _H), lambda i: (i, 0)),
            pl.BlockSpec((bn,), lambda i: (i,)),
            pl.BlockSpec((_H, _H), lambda i: (0, 0)),
            pl.BlockSpec((_H, _H), lambda i: (0, 0)),
        ],
        out_specs=[
            pl.BlockSpec((bn, _H), lambda i: (i, 0)),
            pl.BlockSpec((bn,), lambda i: (i,)),
            pl.BlockSpec((bn, _H), lambda i: (i, 0)),
        ],
        out_shape=[
            jax.ShapeDtypeStruct((n, _H), jnp.float32),
            jax.ShapeDtypeStruct((n,), jnp.float32),
            jax.ShapeDtypeStruct((n, _H), jnp.int32),
        ],
    )(u, s, ids, wq, wk)


_SRB = 128
_EPB = _SRB * _H
_WPT = _NU * _H // _NS


def _acc_chunks():
    chunks, off, left = [], 0, _WPT
    while left > 0:
        ln = min(left, _EPB)
        chunks.append((off, ln))
        off += ln
        left -= ln
    return chunks


def _scatter_body(n_blocks, y_hbm, idx_hbm, e_hbm, ids_hbm, zy_hbm,
                  acc_out, den_out, y_v, idx_v, e_v, ids_v, acc_sh, den_sh):
    c = lax.axis_index("c")
    s = lax.axis_index("s")
    wid = s * _NC + c
    start, nblk = _worker_span(wid, n_blocks)

    pltpu.sync_copy(zy_hbm, y_v)
    for off, ln in _acc_chunks():
        pltpu.sync_copy(y_v.at[pl.ds(0, ln)],
                        acc_sh.at[pl.ds(s * _WPT + off, ln)])

    @pl.when(s == 0)
    def _():
        pltpu.sync_copy(y_v.at[pl.ds(0, _NU)], den_sh)

    plsc.subcore_barrier()

    def body(j, carry):
        base = (start + j) * _SRB
        pltpu.sync_copy(y_hbm.at[pl.ds(base * _H, _EPB)], y_v)
        pltpu.sync_copy(idx_hbm.at[pl.ds(base * _H, _EPB)], idx_v)
        pltpu.sync_copy(e_hbm.at[pl.ds(base, _SRB)], e_v)
        pltpu.sync_copy(ids_hbm.at[pl.ds(base, _SRB)], ids_v)
        pltpu.sync_copy(y_v, acc_sh.at[idx_v], add=True)
        pltpu.sync_copy(e_v, den_sh.at[ids_v], add=True)
        return carry

    lax.fori_loop(0, nblk, body, 0)
    plsc.subcore_barrier()

    for off, ln in _acc_chunks():
        pltpu.sync_copy(acc_sh.at[pl.ds(s * _WPT + off, ln)],
                        y_v.at[pl.ds(0, ln)])
        pltpu.sync_copy(y_v.at[pl.ds(0, ln)],
                        acc_out.at[pl.ds(c * _NU * _H + s * _WPT + off, ln)])

    @pl.when(s == 0)
    def _():
        pltpu.sync_copy(den_sh, y_v.at[pl.ds(0, _NU)])
        pltpu.sync_copy(y_v.at[pl.ds(0, _NU)],
                        den_out.at[pl.ds(c * _NU, _NU)])


def _segment_scatter(y1d, idx1d, e, ids):
    n = ids.shape[0]
    n_blocks = n // _SRB
    zy = jnp.zeros((_EPB,), jnp.float32)
    mesh = plsc.VectorSubcoreMesh(core_axis_name="c", subcore_axis_name="s")
    fn = functools.partial(
        pl.kernel,
        out_type=[
            jax.ShapeDtypeStruct((_NC * _NU * _H,), jnp.float32),
            jax.ShapeDtypeStruct((_NC * _NU,), jnp.float32),
        ],
        mesh=mesh,
        scratch_types=[
            pltpu.VMEM((_EPB,), jnp.float32),
            pltpu.VMEM((_EPB,), jnp.int32),
            pltpu.VMEM((_SRB,), jnp.float32),
            pltpu.VMEM((_SRB,), jnp.int32),
            pltpu.VMEM_SHARED((_NU * _H,), jnp.float32),
            pltpu.VMEM_SHARED((_NU,), jnp.float32),
        ],
    )(functools.partial(_scatter_body, n_blocks))
    return fn(y1d, idx1d, e, ids, zy)


def _user_mlp_body(acc_ref, den_ref, w1b_ref, b1_ref, u_out_ref):
    a = acc_ref[0] + acc_ref[1]
    d = den_ref[0] + den_ref[1]
    ws = a / d[:, None]
    u_out_ref[...] = lax.dot_general(
        ws, w1b_ref[...], (((1,), (1,)), ((), ())),
        preferred_element_type=jnp.float32) + b1_ref[...][None, :]


def _user_mlp(acc, den, w1b, b1):
    return pl.pallas_call(
        _user_mlp_body,
        out_shape=jax.ShapeDtypeStruct((_NU, _H), jnp.float32),
    )(acc, den, w1b, b1)


def _gather_body(n_blocks, table_hbm, ids_hbm, out_hbm, idx_v, rows_v, sem):
    c = lax.axis_index("c")
    s = lax.axis_index("s")
    wid = s * _NC + c
    start, nblk = _worker_span(wid, n_blocks)

    def body(j, carry):
        base = (start + j) * _GRB
        pltpu.sync_copy(ids_hbm.at[pl.ds(base, _GRB)], idx_v)
        pltpu.async_copy(table_hbm.at[idx_v], rows_v, sem).wait()
        pltpu.sync_copy(rows_v, out_hbm.at[pl.ds(base, _GRB)])
        return carry

    lax.fori_loop(0, nblk, body, 0)


_GRB = 512


def _segment_gather(table, ids):
    n = ids.shape[0]
    n_blocks = n // _GRB
    mesh = plsc.VectorSubcoreMesh(core_axis_name="c", subcore_axis_name="s")
    fn = functools.partial(
        pl.kernel,
        out_type=jax.ShapeDtypeStruct((n, _H), jnp.float32),
        mesh=mesh,
        scratch_types=[
            pltpu.VMEM((_GRB,), jnp.int32),
            pltpu.VMEM((_GRB, _H), jnp.float32),
            pltpu.SemaphoreType.DMA,
        ],
    )(functools.partial(_gather_body, n_blocks))
    return fn(table, ids)


def _out_body(u_ref, g_ref, wv_ref, w1a_ref, out_ref):
    v = jnp.dot(u_ref[...], wv_ref[...], preferred_element_type=jnp.float32)
    h = lax.dot_general(v, w1a_ref[...], (((1,), (1,)), ((), ())),
                        preferred_element_type=jnp.float32) + g_ref[...]
    out_ref[...] = jnp.maximum(h, 0.0)


def _out_mlp(u, g, wv, w1a, bn):
    n = u.shape[0]
    return pl.pallas_call(
        _out_body,
        grid=(n // bn,),
        in_specs=[
            pl.BlockSpec((bn, _H), lambda i: (i, 0)),
            pl.BlockSpec((bn, _H), lambda i: (i, 0)),
            pl.BlockSpec((_H, _H), lambda i: (0, 0)),
            pl.BlockSpec((_H, _H), lambda i: (0, 0)),
        ],
        out_specs=pl.BlockSpec((bn, _H), lambda i: (i, 0)),
        out_shape=jax.ShapeDtypeStruct((n, _H), jnp.float32),
    )(u, g, wv, w1a)


def kernel(sess_embed, user_embed, user_ids, Wq, Wk, Wv, W1, b1):
    ids = user_ids.astype(jnp.int32)
    w1a = W1[:, :_H]
    w1b = W1[:, _H:]
    y, e, idx = _sim_exp(user_embed, sess_embed, ids, Wq, Wk, bn=512)
    acc1d, den1d = _segment_scatter(y.reshape(-1), idx.reshape(-1), e, ids)
    table = _user_mlp(acc1d.reshape(_NC, _NU, _H), den1d.reshape(_NC, _NU),
                      w1b, b1)
    g = _segment_gather(table, ids)
    return _out_mlp(user_embed, g, Wv, w1a, bn=2000)

# --- scband reference (transcript-rebuilt; emitter-appended) ---
"""Pipeline reference for scband-user-session-sim-net-21345987461278 (READ-ONLY COPY).

The authoritative reference and input builder live on the scoring server;
editing this copy changes nothing except your own understanding.
"""

import jax, jax.numpy as jnp
import numpy as np

NUM_USERS = 10000
N = 320000
H = 128

def setup_inputs(seed: int = 0) -> dict:
    key = jax.random.key(seed)
    ks = jax.random.split(key, 8)
    sess_embed = jax.random.normal(ks[0], (N, H), dtype=jnp.float32)
    user_embed = jax.random.normal(ks[1], (N, H), dtype=jnp.float32)
    user_ids = jax.random.randint(ks[2], (N,), 0, NUM_USERS)
    Wq = jax.random.normal(ks[3], (H, H), dtype=jnp.float32) * 0.05
    Wk = jax.random.normal(ks[4], (H, H), dtype=jnp.float32) * 0.05
    Wv = jax.random.normal(ks[5], (H, H), dtype=jnp.float32) * 0.05
    W1 = jax.random.normal(ks[6], (H, 2 * H), dtype=jnp.float32) * 0.05
    b1 = jnp.zeros((H,), dtype=jnp.float32)
    return {"sess_embed": sess_embed, "user_embed": user_embed, "user_ids": user_ids,
            "Wq": Wq, "Wk": Wk, "Wv": Wv, "W1": W1, "b1": b1}

def reference(sess_embed, user_embed, user_ids, Wq, Wk, Wv, W1, b1):
    query = sess_embed @ jnp.zeros((0,)) if False else user_embed @ Wq
    key = sess_embed @ Wk
    value = user_embed @ Wv
    # torch.mm(query, key.T).diag() == row-wise dot product (same math, no NxN materialization)
    similarity = jnp.sum(query * key, axis=1)
    # scatter_softmax over user_ids (numerically stable, matches torch_scatter.scatter_softmax)
    seg_max = jax.ops.segment_max(similarity, user_ids, num_segments=NUM_USERS)
    sim_exp = jnp.exp(similarity - seg_max[user_ids])
    seg_sum = jax.ops.segment_sum(sim_exp, user_ids, num_segments=NUM_USERS)
    sim_sm = sim_exp / seg_sum[user_ids]
    weighted_user = user_embed * sim_sm[:, None]
    weighted_sum = jax.ops.segment_sum(weighted_user, user_ids, num_segments=NUM_USERS)
    user_concat = jnp.concatenate([value, weighted_sum[user_ids]], axis=1)
    hidden = user_concat @ W1.T + b1
    return jax.nn.relu(hidden)

if __name__ == "__main__":
    import jax
    _d = setup_inputs()
    print(jax.jit(kernel)(*tuple(_d.values())))

</pallas_src>

<mosaic_0001>
#map = affine_map<(d0, d1) -> (0)>
module attributes {stable_mosaic.version = 14 : i64} {
  func.func @_scatter_body(%arg0: i32, %arg1: i32, %arg2: memref<40960000xf32, #tpu.memory_space<hbm>>, %arg3: memref<40960000xi32, #tpu.memory_space<hbm>>, %arg4: memref<320000xf32, #tpu.memory_space<hbm>>, %arg5: memref<320000xi32, #tpu.memory_space<hbm>>, %arg6: memref<16384xf32, #tpu.memory_space<hbm>>, %arg7: memref<2560000xf32, #tpu.memory_space<hbm>>, %arg8: memref<20000xf32, #tpu.memory_space<hbm>>, %arg9: memref<16384xf32, #tpu.memory_space<vmem>>, %arg10: memref<16384xi32, #tpu.memory_space<vmem>>, %arg11: memref<128xf32, #tpu.memory_space<vmem>>, %arg12: memref<128xi32, #tpu.memory_space<vmem>>, %arg13: memref<1280000xf32, #tpu.memory_space<vmem_shared>>, %arg14: memref<10000xf32, #tpu.memory_space<vmem_shared>>) attributes {dimension_semantics = [#tpu.dimension_semantics<core_parallel>, #tpu.dimension_semantics<subcore_parallel>], iteration_bounds = array<i64: 2, 16>, scalar_prefetch = 0 : i64, scratch_operands = 6 : i64, tpu.core_type = #tpu.core_type<sc_vector_subcore>, window_params = [{transform_indices = #map}, {transform_indices = #map}, {transform_indices = #map}, {transform_indices = #map}, {transform_indices = #map}, {transform_indices = #map}, {transform_indices = #map}]} {
    %mul3A = arith.constant 2 : i32
    %mul3A_0 = arith.muli %arg1, %mul3A : i32
    %add3A = arith.addi %mul3A_0, %arg0 : i32
    %lt3A = arith.constant 4 : i32
    %lt3A_1 = arith.cmpi slt, %add3A, %lt3A : i32
    %jit3A = arith.constant 1 : i32
    %jit3A_2 = arith.constant 0 : i32
    %select_n3A = arith.select %lt3A_1, %jit3A, %jit3A_2 : i32
    %add3A_3 = arith.constant 78 : i32
    %add3A_4 = arith.addi %add3A_3, %select_n3A : i32
    %mul3A_5 = arith.constant 78 : i32
    %mul3A_6 = arith.muli %mul3A_5, %add3A : i32
    %min3A = arith.constant 4 : i32
    %min3A_7 = arith.minsi %add3A, %min3A : i32
    %add3A_8 = arith.addi %mul3A_6, %min3A_7 : i32
    "tpu.region"() ({
      %run_scoped3A = tpu.sem_alloc : memref<!tpu.dma_semaphore, #tpu.memory_space<semaphore_mem>>
      tpu.enqueue_dma source(%arg6 : memref<16384xf32, #tpu.memory_space<hbm>>) target(%arg9 : memref<16384xf32, #tpu.memory_space<vmem>>) target_semaphore(%run_scoped3A : memref<!tpu.dma_semaphore, #tpu.memory_space<semaphore_mem>>)
      tpu.wait_dma2 semaphore(%run_scoped3A : memref<!tpu.dma_semaphore, #tpu.memory_space<semaphore_mem>>) src(%arg6 : memref<16384xf32, #tpu.memory_space<hbm>>) dst(%arg9 : memref<16384xf32, #tpu.memory_space<vmem>>)
      tpu.yield
    }) : () -> ()
    %mul3A_9 = arith.constant 80000 : i32
    %mul3A_10 = arith.muli %arg1, %mul3A_9 : i32
    %add3A_11 = arith.constant 0 : i32
    %add3A_12 = arith.addi %mul3A_10, %add3A_11 : i32
    "tpu.region"() ({
      %run_scoped3A = tpu.sem_alloc : memref<!tpu.dma_semaphore, #tpu.memory_space<semaphore_mem>>
      %dma_start3A = arith.constant 0 : i32
      %dma_start3A_111 = tpu.memref_slice %arg9[%dma_start3A] : memref<16384xf32, #tpu.memory_space<vmem>> -> memref<16384xf32, #tpu.memory_space<vmem>>
      %dma_start3A_112 = tpu.memref_slice %arg13[%add3A_12] : memref<1280000xf32, #tpu.memory_space<vmem_shared>> -> memref<16384xf32, #tpu.memory_space<vmem_shared>>
      %dma_start3A_113 = tpu.memref_slice %arg13[%add3A_12] : memref<1280000xf32, #tpu.memory_space<vmem_shared>> -> memref<16384xf32, #tpu.memory_space<vmem_shared>>
      %dma_start3A_114 = arith.constant 0 : i32
      %dma_start3A_115 = tpu.memref_slice %arg9[%dma_start3A_114] : memref<16384xf32, #tpu.memory_space<vmem>> -> memref<16384xf32, #tpu.memory_space<vmem>>
      tpu.enqueue_dma source(%dma_start3A_115 : memref<16384xf32, #tpu.memory_space<vmem>>) target(%dma_start3A_113 : memref<16384xf32, #tpu.memory_space<vmem_shared>>) target_semaphore(%run_scoped3A : memref<!tpu.dma_semaphore, #tpu.memory_space<semaphore_mem>>)
      %dma_wait3A = arith.constant 0 : i32
      %dma_wait3A_116 = tpu.memref_slice %arg9[%dma_wait3A] : memref<16384xf32, #tpu.memory_space<vmem>> -> memref<16384xf32, #tpu.memory_space<vmem>>
      %dma_wait3A_117 = tpu.memref_slice %arg13[%add3A_12] : memref<1280000xf32, #tpu.memory_space<vmem_shared>> -> memref<16384xf32, #tpu.memory_space<vmem_shared>>
      %dma_wait3A_118 = tpu.memref_slice %arg13[%add3A_12] : memref<1280000xf32, #tpu.memory_space<vmem_shared>> -> memref<16384xf32, #tpu.memory_space<vmem_shared>>
      %dma_wait3A_119 = arith.constant 0 : i32
      %dma_wait3A_120 = tpu.memref_slice %arg9[%dma_wait3A_119] : memref<16384xf32, #tpu.memory_space<vmem>> -> memref<16384xf32, #tpu.memory_space<vmem>>
      tpu.wait_dma2 semaphore(%run_scoped3A : memref<!tpu.dma_semaphore, #tpu.memory_space<semaphore_mem>>) src(%dma_wait3A_120 : memref<16384xf32, #tpu.memory_space<vmem>>) dst(%dma_wait3A_118 : memref<16384xf32, #tpu.memory_space<vmem_shared>>)
      tpu.yield
    }) : () -> ()
    %mul3A_13 = arith.constant 80000 : i32
    %mul3A_14 = arith.muli %arg1, %mul3A_13 : i32
    %add3A_15 = arith.constant 16384 : i32
    %add3A_16 = arith.addi %mul3A_14, %add3A_15 : i32
    "tpu.region"() ({
      %run_scoped3A = tpu.sem_alloc : memref<!tpu.dma_semaphore, #tpu.memory_space<semaphore_mem>>
      %dma_start3A = arith.constant 0 : i32
      %dma_start3A_111 = tpu.memref_slice %arg9[%dma_start3A] : memref<16384xf32, #tpu.memory_space<vmem>> -> memref<16384xf32, #tpu.memory_space<vmem>>
      %dma_start3A_112 = tpu.memref_slice %arg13[%add3A_16] : memref<1280000xf32, #tpu.memory_space<vmem_shared>> -> memref<16384xf32, #tpu.memory_space<vmem_shared>>
      %dma_start3A_113 = tpu.memref_slice %arg13[%add3A_16] : memref<1280000xf32, #tpu.memory_space<vmem_shared>> -> memref<16384xf32, #tpu.memory_space<vmem_shared>>
      %dma_start3A_114 = arith.constant 0 : i32
      %dma_start3A_115 = tpu.memref_slice %arg9[%dma_start3A_114] : memref<16384xf32, #tpu.memory_space<vmem>> -> memref<16384xf32, #tpu.memory_space<vmem>>
      tpu.enqueue_dma source(%dma_start3A_115 : memref<16384xf32, #tpu.memory_space<vmem>>) target(%dma_start3A_113 : memref<16384xf32, #tpu.memory_space<vmem_shared>>) target_semaphore(%run_scoped3A : memref<!tpu.dma_semaphore, #tpu.memory_space<semaphore_mem>>)
      %dma_wait3A = arith.constant 0 : i32
      %dma_wait3A_116 = tpu.memref_slice %arg9[%dma_wait3A] : memref<16384xf32, #tpu.memory_space<vmem>> -> memref<16384xf32, #tpu.memory_space<vmem>>
      %dma_wait3A_117 = tpu.memref_slice %arg13[%add3A_16] : memref<1280000xf32, #tpu.memory_space<vmem_shared>> -> memref<16384xf32, #tpu.memory_space<vmem_shared>>
      %dma_wait3A_118 = tpu.memref_slice %arg13[%add3A_16] : memref<1280000xf32, #tpu.memory_space<vmem_shared>> -> memref<16384xf32, #tpu.memory_space<vmem_shared>>
      %dma_wait3A_119 = arith.constant 0 : i32
      %dma_wait3A_120 = tpu.memref_slice %arg9[%dma_wait3A_119] : memref<16384xf32, #tpu.memory_space<vmem>> -> memref<16384xf32, #tpu.memory_space<vmem>>
      tpu.wait_dma2 semaphore(%run_scoped3A : memref<!tpu.dma_semaphore, #tpu.memory_space<semaphore_mem>>) src(%dma_wait3A_120 : memref<16384xf32, #tpu.memory_space<vmem>>) dst(%dma_wait3A_118 : memref<16384xf32, #tpu.memory_space<vmem_shared>>)
      tpu.yield
    }) : () -> ()
    %mul3A_17 = arith.constant 80000 : i32
    %mul3A_18 = arith.muli %arg1, %mul3A_17 : i32
    %add3A_19 = arith.constant 32768 : i32
    %add3A_20 = arith.addi %mul3A_18, %add3A_19 : i32
    "tpu.region"() ({
      %run_scoped3A = tpu.sem_alloc : memref<!tpu.dma_semaphore, #tpu.memory_space<semaphore_mem>>
      %dma_start3A = arith.constant 0 : i32
      %dma_start3A_111 = tpu.memref_slice %arg9[%dma_start3A] : memref<16384xf32, #tpu.memory_space<vmem>> -> memref<16384xf32, #tpu.memory_space<vmem>>
      %dma_start3A_112 = tpu.memref_slice %arg13[%add3A_20] : memref<1280000xf32, #tpu.memory_space<vmem_shared>> -> memref<16384xf32, #tpu.memory_space<vmem_shared>>
      %dma_start3A_113 = tpu.memref_slice %arg13[%add3A_20] : memref<1280000xf32, #tpu.memory_space<vmem_shared>> -> memref<16384xf32, #tpu.memory_space<vmem_shared>>
      %dma_start3A_114 = arith.constant 0 : i32
      %dma_start3A_115 = tpu.memref_slice %arg9[%dma_start3A_114] : memref<16384xf32, #tpu.memory_space<vmem>> -> memref<16384xf32, #tpu.memory_space<vmem>>
      tpu.enqueue_dma source(%dma_start3A_115 : memref<16384xf32, #tpu.memory_space<vmem>>) target(%dma_start3A_113 : memref<16384xf32, #tpu.memory_space<vmem_shared>>) target_semaphore(%run_scoped3A : memref<!tpu.dma_semaphore, #tpu.memory_space<semaphore_mem>>)
      %dma_wait3A = arith.constant 0 : i32
      %dma_wait3A_116 = tpu.memref_slice %arg9[%dma_wait3A] : memref<16384xf32, #tpu.memory_space<vmem>> -> memref<16384xf32, #tpu.memory_space<vmem>>
      %dma_wait3A_117 = tpu.memref_slice %arg13[%add3A_20] : memref<1280000xf32, #tpu.memory_space<vmem_shared>> -> memref<16384xf32, #tpu.memory_space<vmem_shared>>
      %dma_wait3A_118 = tpu.memref_slice %arg13[%add3A_20] : memref<1280000xf32, #tpu.memory_space<vmem_shared>> -> memref<16384xf32, #tpu.memory_space<vmem_shared>>
      %dma_wait3A_119 = arith.constant 0 : i32
      %dma_wait3A_120 = tpu.memref_slice %arg9[%dma_wait3A_119] : memref<16384xf32, #tpu.memory_space<vmem>> -> memref<16384xf32, #tpu.memory_space<vmem>>
      tpu.wait_dma2 semaphore(%run_scoped3A : memref<!tpu.dma_semaphore, #tpu.memory_space<semaphore_mem>>) src(%dma_wait3A_120 : memref<16384xf32, #tpu.memory_space<vmem>>) dst(%dma_wait3A_118 : memref<16384xf32, #tpu.memory_space<vmem_shared>>)
      tpu.yield
    }) : () -> ()
    %mul3A_21 = arith.constant 80000 : i32
    %mul3A_22 = arith.muli %arg1, %mul3A_21 : i32
    %add3A_23 = arith.constant 49152 : i32
    %add3A_24 = arith.addi %mul3A_22, %add3A_23 : i32
    "tpu.region"() ({
      %run_scoped3A = tpu.sem_alloc : memref<!tpu.dma_semaphore, #tpu.memory_space<semaphore_mem>>
      %dma_start3A = arith.constant 0 : i32
      %dma_start3A_111 = tpu.memref_slice %arg9[%dma_start3A] : memref<16384xf32, #tpu.memory_space<vmem>> -> memref<16384xf32, #tpu.memory_space<vmem>>
      %dma_start3A_112 = tpu.memref_slice %arg13[%add3A_24] : memref<1280000xf32, #tpu.memory_space<vmem_shared>> -> memref<16384xf32, #tpu.memory_space<vmem_shared>>
      %dma_start3A_113 = tpu.memref_slice %arg13[%add3A_24] : memref<1280000xf32, #tpu.memory_space<vmem_shared>> -> memref<16384xf32, #tpu.memory_space<vmem_shared>>
      %dma_start3A_114 = arith.constant 0 : i32
      %dma_start3A_115 = tpu.memref_slice %arg9[%dma_start3A_114] : memref<16384xf32, #tpu.memory_space<vmem>> -> memref<16384xf32, #tpu.memory_space<vmem>>
      tpu.enqueue_dma source(%dma_start3A_115 : memref<16384xf32, #tpu.memory_space<vmem>>) target(%dma_start3A_113 : memref<16384xf32, #tpu.memory_space<vmem_shared>>) target_semaphore(%run_scoped3A : memref<!tpu.dma_semaphore, #tpu.memory_space<semaphore_mem>>)
      %dma_wait3A = arith.constant 0 : i32
      %dma_wait3A_116 = tpu.memref_slice %arg9[%dma_wait3A] : memref<16384xf32, #tpu.memory_space<vmem>> -> memref<16384xf32, #tpu.memory_space<vmem>>
      %dma_wait3A_117 = tpu.memref_slice %arg13[%add3A_24] : memref<1280000xf32, #tpu.memory_space<vmem_shared>> -> memref<16384xf32, #tpu.memory_space<vmem_shared>>
      %dma_wait3A_118 = tpu.memref_slice %arg13[%add3A_24] : memref<1280000xf32, #tpu.memory_space<vmem_shared>> -> memref<16384xf32, #tpu.memory_space<vmem_shared>>
      %dma_wait3A_119 = arith.constant 0 : i32
      %dma_wait3A_120 = tpu.memref_slice %arg9[%dma_wait3A_119] : memref<16384xf32, #tpu.memory_space<vmem>> -> memref<16384xf32, #tpu.memory_space<vmem>>
      tpu.wait_dma2 semaphore(%run_scoped3A : memref<!tpu.dma_semaphore, #tpu.memory_space<semaphore_mem>>) src(%dma_wait3A_120 : memref<16384xf32, #tpu.memory_space<vmem>>) dst(%dma_wait3A_118 : memref<16384xf32, #tpu.memory_space<vmem_shared>>)
      tpu.yield
    }) : () -> ()
    %mul3A_25 = arith.constant 80000 : i32
    %mul3A_26 = arith.muli %arg1, %mul3A_25 : i32
    %add3A_27 = arith.constant 65536 : i32
    %add3A_28 = arith.addi %mul3A_26, %add3A_27 : i32
    "tpu.region"() ({
      %run_scoped3A = tpu.sem_alloc : memref<!tpu.dma_semaphore, #tpu.memory_space<semaphore_mem>>
      %dma_start3A = arith.constant 0 : i32
      %dma_start3A_111 = tpu.memref_slice %arg9[%dma_start3A] : memref<16384xf32, #tpu.memory_space<vmem>> -> memref<14464xf32, #tpu.memory_space<vmem>>
      %dma_start3A_112 = tpu.memref_slice %arg13[%add3A_28] : memref<1280000xf32, #tpu.memory_space<vmem_shared>> -> memref<14464xf32, #tpu.memory_space<vmem_shared>>
      %dma_start3A_113 = tpu.memref_slice %arg13[%add3A_28] : memref<1280000xf32, #tpu.memory_space<vmem_shared>> -> memref<14464xf32, #tpu.memory_space<vmem_shared>>
      %dma_start3A_114 = arith.constant 0 : i32
      %dma_start3A_115 = tpu.memref_slice %arg9[%dma_start3A_114] : memref<16384xf32, #tpu.memory_space<vmem>> -> memref<14464xf32, #tpu.memory_space<vmem>>
      tpu.enqueue_dma source(%dma_start3A_115 : memref<14464xf32, #tpu.memory_space<vmem>>) target(%dma_start3A_113 : memref<14464xf32, #tpu.memory_space<vmem_shared>>) target_semaphore(%run_scoped3A : memref<!tpu.dma_semaphore, #tpu.memory_space<semaphore_mem>>)
      %dma_wait3A = arith.constant 0 : i32
      %dma_wait3A_116 = tpu.memref_slice %arg9[%dma_wait3A] : memref<16384xf32, #tpu.memory_space<vmem>> -> memref<14464xf32, #tpu.memory_space<vmem>>
      %dma_wait3A_117 = tpu.memref_slice %arg13[%add3A_28] : memref<1280000xf32, #tpu.memory_space<vmem_shared>> -> memref<14464xf32, #tpu.memory_space<vmem_shared>>
      %dma_wait3A_118 = tpu.memref_slice %arg13[%add3A_28] : memref<1280000xf32, #tpu.memory_space<vmem_shared>> -> memref<14464xf32, #tpu.memory_space<vmem_shared>>
      %dma_wait3A_119 = arith.constant 0 : i32
      %dma_wait3A_120 = tpu.memref_slice %arg9[%dma_wait3A_119] : memref<16384xf32, #tpu.memory_space<vmem>> -> memref<14464xf32, #tpu.memory_space<vmem>>
      tpu.wait_dma2 semaphore(%run_scoped3A : memref<!tpu.dma_semaphore, #tpu.memory_space<semaphore_mem>>) src(%dma_wait3A_120 : memref<14464xf32, #tpu.memory_space<vmem>>) dst(%dma_wait3A_118 : memref<14464xf32, #tpu.memory_space<vmem_shared>>)
      tpu.yield
    }) : () -> ()
    %eq3A = arith.constant 0 : i32
    %eq3A_29 = arith.cmpi eq, %arg1, %eq3A : i32
    %convert_element_type3A = arith.extui %eq3A_29 : i1 to i32
    %cond3A = arith.constant 0 : i32
    %cond3A_30 = arith.cmpi ne, %convert_element_type3A, %cond3A : i32
    scf.if %cond3A_30 {
      "tpu.region"() ({
        %run_scoped3A = tpu.sem_alloc : memref<!tpu.dma_semaphore, #tpu.memory_space<semaphore_mem>>
        %dma_start3A = arith.constant 0 : i32
        %dma_start3A_111 = tpu.memref_slice %arg9[%dma_start3A] : memref<16384xf32, #tpu.memory_space<vmem>> -> memref<10000xf32, #tpu.memory_space<vmem>>
        %dma_start3A_112 = arith.constant 0 : i32
        %dma_start3A_113 = tpu.memref_slice %arg9[%dma_start3A_112] : memref<16384xf32, #tpu.memory_space<vmem>> -> memref<10000xf32, #tpu.memory_space<vmem>>
        tpu.enqueue_dma source(%dma_start3A_113 : memref<10000xf32, #tpu.memory_space<vmem>>) target(%arg14 : memref<10000xf32, #tpu.memory_space<vmem_shared>>) target_semaphore(%run_scoped3A : memref<!tpu.dma_semaphore, #tpu.memory_space<semaphore_mem>>)
        %dma_wait3A = arith.constant 0 : i32
        %dma_wait3A_114 = tpu.memref_slice %arg9[%dma_wait3A] : memref<16384xf32, #tpu.memory_space<vmem>> -> memref<10000xf32, #tpu.memory_space<vmem>>
        %dma_wait3A_115 = arith.constant 0 : i32
        %dma_wait3A_116 = tpu.memref_slice %arg9[%dma_wait3A_115] : memref<16384xf32, #tpu.memory_space<vmem>> -> memref<10000xf32, #tpu.memory_space<vmem>>
        tpu.wait_dma2 semaphore(%run_scoped3A : memref<!tpu.dma_semaphore, #tpu.memory_space<semaphore_mem>>) src(%dma_wait3A_116 : memref<10000xf32, #tpu.memory_space<vmem>>) dst(%arg14 : memref<10000xf32, #tpu.memory_space<vmem_shared>>)
        tpu.yield
      }) : () -> ()
    } else {
    }
    %barrier3A = arith.constant 0 : index
    tpu.barrier barrier_id(%barrier3A)
    %while3A = arith.constant 0 : i32
    %while3A_31 = arith.constant 0 : i32
    %while3A_32 = arith.subi %add3A_4, %while3A_31 : i32
    %while3A_33 = arith.addi %while3A_31, %while3A_32 : i32
    %while3A_34 = arith.constant 1 : i32
    %while3A_35 = arith.divsi %while3A_32, %while3A_34 : i32
    %while3A_36 = arith.muli %while3A_35, %while3A_34 : i32
    %while3A_37 = arith.addi %while3A_31, %while3A_36 : i32
    %while3A_38 = arith.constant 1 : i32
    scf.for %while3A_111 = %while3A_31 to %while3A_37 step %while3A_38  : i32 {
      %add3A_112 = arith.addi %add3A_8, %while3A_111 : i32
      %mul3A_113 = arith.constant 128 : i32
      %mul3A_114 = arith.muli %add3A_112, %mul3A_113 : i32
      %mul3A_115 = arith.constant 128 : i32
      %mul3A_116 = arith.muli %mul3A_114, %mul3A_115 : i32
      "tpu.region"() ({
        %run_scoped3A = tpu.sem_alloc : memref<!tpu.dma_semaphore, #tpu.memory_space<semaphore_mem>>
        %dma_start3A = tpu.memref_slice %arg2[%mul3A_116] : memref<40960000xf32, #tpu.memory_space<hbm>> -> memref<16384xf32, #tpu.memory_space<hbm>>
        %dma_start3A_119 = tpu.memref_slice %arg2[%mul3A_116] : memref<40960000xf32, #tpu.memory_space<hbm>> -> memref<16384xf32, #tpu.memory_space<hbm>>
        tpu.enqueue_dma source(%dma_start3A_119 : memref<16384xf32, #tpu.memory_space<hbm>>) target(%arg9 : memref<16384xf32, #tpu.memory_space<vmem>>) target_semaphore(%run_scoped3A : memref<!tpu.dma_semaphore, #tpu.memory_space<semaphore_mem>>)
        %dma_wait3A = tpu.memref_slice %arg2[%mul3A_116] : memref<40960000xf32, #tpu.memory_space<hbm>> -> memref<16384xf32, #tpu.memory_space<hbm>>
        %dma_wait3A_120 = tpu.memref_slice %arg2[%mul3A_116] : memref<40960000xf32, #tpu.memory_space<hbm>> -> memref<16384xf32, #tpu.memory_space<hbm>>
        tpu.wait_dma2 semaphore(%run_scoped3A : memref<!tpu.dma_semaphore, #tpu.memory_space<semaphore_mem>>) src(%dma_wait3A_120 : memref<16384xf32, #tpu.memory_space<hbm>>) dst(%arg9 : memref<16384xf32, #tpu.memory_space<vmem>>)
        tpu.yield
      }) : () -> ()
      %mul3A_117 = arith.constant 128 : i32
      %mul3A_118 = arith.muli %mul3A_114, %mul3A_117 : i32
      "tpu.region"() ({
        %run_scoped3A = tpu.sem_alloc : memref<!tpu.dma_semaphore, #tpu.memory_space<semaphore_mem>>
        %dma_start3A = tpu.memref_slice %arg3[%mul3A_118] : memref<40960000xi32, #tpu.memory_space<hbm>> -> memref<16384xi32, #tpu.memory_space<hbm>>
        %dma_start3A_119 = tpu.memref_slice %arg3[%mul3A_118] : memref<40960000xi32, #tpu.memory_space<hbm>> -> memref<16384xi32, #tpu.memory_space<hbm>>
        tpu.enqueue_dma source(%dma_start3A_119 : memref<16384xi32, #tpu.memory_space<hbm>>) target(%arg10 : memref<16384xi32, #tpu.memory_space<vmem>>) target_semaphore(%run_scoped3A : memref<!tpu.dma_semaphore, #tpu.memory_space<semaphore_mem>>)
        %dma_wait3A = tpu.memref_slice %arg3[%mul3A_118] : memref<40960000xi32, #tpu.memory_space<hbm>> -> memref<16384xi32, #tpu.memory_space<hbm>>
        %dma_wait3A_120 = tpu.memref_slice %arg3[%mul3A_118] : memref<40960000xi32, #tpu.memory_space<hbm>> -> memref<16384xi32, #tpu.memory_space<hbm>>
        tpu.wait_dma2 semaphore(%run_scoped3A : memref<!tpu.dma_semaphore, #tpu.memory_space<semaphore_mem>>) src(%dma_wait3A_120 : memref<16384xi32, #tpu.memory_space<hbm>>) dst(%arg10 : memref<16384xi32, #tpu.memory_space<vmem>>)
        tpu.yield
      }) : () -> ()
      "tpu.region"() ({
        %run_scoped3A = tpu.sem_alloc : memref<!tpu.dma_semaphore, #tpu.memory_space<semaphore_mem>>
        %dma_start3A = tpu.memref_slice %arg4[%mul3A_114] : memref<320000xf32, #tpu.memory_space<hbm>> -> memref<128xf32, #tpu.memory_space<hbm>>
        %dma_start3A_119 = tpu.memref_slice %arg4[%mul3A_114] : memref<320000xf32, #tpu.memory_space<hbm>> -> memref<128xf32, #tpu.memory_space<hbm>>
        tpu.enqueue_dma source(%dma_start3A_119 : memref<128xf32, #tpu.memory_space<hbm>>) target(%arg11 : memref<128xf32, #tpu.memory_space<vmem>>) target_semaphore(%run_scoped3A : memref<!tpu.dma_semaphore, #tpu.memory_space<semaphore_mem>>)
        %dma_wait3A = tpu.memref_slice %arg4[%mul3A_114] : memref<320000xf32, #tpu.memory_space<hbm>> -> memref<128xf32, #tpu.memory_space<hbm>>
        %dma_wait3A_120 = tpu.memref_slice %arg4[%mul3A_114] : memref<320000xf32, #tpu.memory_space<hbm>> -> memref<128xf32, #tpu.memory_space<hbm>>
        tpu.wait_dma2 semaphore(%run_scoped3A : memref<!tpu.dma_semaphore, #tpu.memory_space<semaphore_mem>>) src(%dma_wait3A_120 : memref<128xf32, #tpu.memory_space<hbm>>) dst(%arg11 : memref<128xf32, #tpu.memory_space<vmem>>)
        tpu.yield
      }) : () -> ()
      "tpu.region"() ({
        %run_scoped3A = tpu.sem_alloc : memref<!tpu.dma_semaphore, #tpu.memory_space<semaphore_mem>>
        %dma_start3A = tpu.memref_slice %arg5[%mul3A_114] : memref<320000xi32, #tpu.memory_space<hbm>> -> memref<128xi32, #tpu.memory_space<hbm>>
        %dma_start3A_119 = tpu.memref_slice %arg5[%mul3A_114] : memref<320000xi32, #tpu.memory_space<hbm>> -> memref<128xi32, #tpu.memory_space<hbm>>
        tpu.enqueue_dma source(%dma_start3A_119 : memref<128xi32, #tpu.memory_space<hbm>>) target(%arg12 : memref<128xi32, #tpu.memory_space<vmem>>) target_semaphore(%run_scoped3A : memref<!tpu.dma_semaphore, #tpu.memory_space<semaphore_mem>>)
        %dma_wait3A = tpu.memref_slice %arg5[%mul3A_114] : memref<320000xi32, #tpu.memory_space<hbm>> -> memref<128xi32, #tpu.memory_space<hbm>>
        %dma_wait3A_120 = tpu.memref_slice %arg5[%mul3A_114] : memref<320000xi32, #tpu.memory_space<hbm>> -> memref<128xi32, #tpu.memory_space<hbm>>
        tpu.wait_dma2 semaphore(%run_scoped3A : memref<!tpu.dma_semaphore, #tpu.memory_space<semaphore_mem>>) src(%dma_wait3A_120 : memref<128xi32, #tpu.memory_space<hbm>>) dst(%arg12 : memref<128xi32, #tpu.memory_space<vmem>>)
        tpu.yield
      }) : () -> ()
      "tpu.region"() ({
        %run_scoped3A = tpu.sem_alloc : memref<!tpu.dma_semaphore, #tpu.memory_space<semaphore_mem>>
        %dma_start3A = arith.constant 0 : i32
        %dma_start3A_119 = tpu.memref_slice %arg13[%dma_start3A] : memref<1280000xf32, #tpu.memory_space<vmem_shared>> -> memref<1280000xf32, #tpu.memory_space<vmem_shared>>
        tpu.enqueue_indirect_dma source(%arg9 : memref<16384xf32, #tpu.memory_space<vmem>>) target(%dma_start3A_119 : memref<1280000xf32, #tpu.memory_space<vmem_shared>>) offsets(%arg10 : memref<16384xi32, #tpu.memory_space<vmem>>) semaphore(%run_scoped3A : memref<!tpu.dma_semaphore, #tpu.memory_space<semaphore_mem>>) {add = true}
        %dma_wait3A = arith.constant 0 : i32
        %dma_wait3A_120 = tpu.memref_slice %arg13[%dma_wait3A] : memref<1280000xf32, #tpu.memory_space<vmem_shared>> -> memref<1280000xf32, #tpu.memory_space<vmem_shared>>
        tpu.wait_indirect_dma semaphore(%run_scoped3A : memref<!tpu.dma_semaphore, #tpu.memory_space<semaphore_mem>>) src(%arg9 : memref<16384xf32, #tpu.memory_space<vmem>>) dst(%dma_wait3A_120 : memref<1280000xf32, #tpu.memory_space<vmem_shared>>)
        tpu.yield
      }) : () -> ()
      "tpu.region"() ({
        %run_scoped3A = tpu.sem_alloc : memref<!tpu.dma_semaphore, #tpu.memory_space<semaphore_mem>>
        %dma_start3A = arith.constant 0 : i32
        %dma_start3A_119 = tpu.memref_slice %arg14[%dma_start3A] : memref<10000xf32, #tpu.memory_space<vmem_shared>> -> memref<10000xf32, #tpu.memory_space<vmem_shared>>
        tpu.enqueue_indirect_dma source(%arg11 : memref<128xf32, #tpu.memory_space<vmem>>) target(%dma_start3A_119 : memref<10000xf32, #tpu.memory_space<vmem_shared>>) offsets(%arg12 : memref<128xi32, #tpu.memory_space<vmem>>) semaphore(%run_scoped3A : memref<!tpu.dma_semaphore, #tpu.memory_space<semaphore_mem>>) {add = true}
        %dma_wait3A = arith.constant 0 : i32
        %dma_wait3A_120 = tpu.memref_slice %arg14[%dma_wait3A] : memref<10000xf32, #tpu.memory_space<vmem_shared>> -> memref<10000xf32, #tpu.memory_space<vmem_shared>>
        tpu.wait_indirect_dma semaphore(%run_scoped3A : memref<!tpu.dma_semaphore, #tpu.memory_space<semaphore_mem>>) src(%arg11 : memref<128xf32, #tpu.memory_space<vmem>>) dst(%dma_wait3A_120 : memref<10000xf32, #tpu.memory_space<vmem_shared>>)
        tpu.yield
      }) : () -> ()
    }
    %while3A_39 = arith.constant 1 : i32
    scf.for %while3A_111 = %while3A_37 to %while3A_33 step %while3A_39  : i32 {
      %add3A_112 = arith.addi %add3A_8, %while3A_111 : i32
      %mul3A_113 = arith.constant 128 : i32
      %mul3A_114 = arith.muli %add3A_112, %mul3A_113 : i32
      %mul3A_115 = arith.constant 128 : i32
      %mul3A_116 = arith.muli %mul3A_114, %mul3A_115 : i32
      "tpu.region"() ({
        %run_scoped3A = tpu.sem_alloc : memref<!tpu.dma_semaphore, #tpu.memory_space<semaphore_mem>>
        %dma_start3A = tpu.memref_slice %arg2[%mul3A_116] : memref<40960000xf32, #tpu.memory_space<hbm>> -> memref<16384xf32, #tpu.memory_space<hbm>>
        %dma_start3A_119 = tpu.memref_slice %arg2[%mul3A_116] : memref<40960000xf32, #tpu.memory_space<hbm>> -> memref<16384xf32, #tpu.memory_space<hbm>>
        tpu.enqueue_dma source(%dma_start3A_119 : memref<16384xf32, #tpu.memory_space<hbm>>) target(%arg9 : memref<16384xf32, #tpu.memory_space<vmem>>) target_semaphore(%run_scoped3A : memref<!tpu.dma_semaphore, #tpu.memory_space<semaphore_mem>>)
        %dma_wait3A = tpu.memref_slice %arg2[%mul3A_116] : memref<40960000xf32, #tpu.memory_space<hbm>> -> memref<16384xf32, #tpu.memory_space<hbm>>
        %dma_wait3A_120 = tpu.memref_slice %arg2[%mul3A_116] : memref<40960000xf32, #tpu.memory_space<hbm>> -> memref<16384xf32, #tpu.memory_space<hbm>>
        tpu.wait_dma2 semaphore(%run_scoped3A : memref<!tpu.dma_semaphore, #tpu.memory_space<semaphore_mem>>) src(%dma_wait3A_120 : memref<16384xf32, #tpu.memory_space<hbm>>) dst(%arg9 : memref<16384xf32, #tpu.memory_space<vmem>>)
        tpu.yield
      }) : () -> ()
      %mul3A_117 = arith.constant 128 : i32
      %mul3A_118 = arith.muli %mul3A_114, %mul3A_117 : i32
      "tpu.region"() ({
        %run_scoped3A = tpu.sem_alloc : memref<!tpu.dma_semaphore, #tpu.memory_space<semaphore_mem>>
        %dma_start3A = tpu.memref_slice %arg3[%mul3A_118] : memref<40960000xi32, #tpu.memory_space<hbm>> -> memref<16384xi32, #tpu.memory_space<hbm>>
        %dma_start3A_119 = tpu.memref_slice %arg3[%mul3A_118] : memref<40960000xi32, #tpu.memory_space<hbm>> -> memref<16384xi32, #tpu.memory_space<hbm>>
        tpu.enqueue_dma source(%dma_start3A_119 : memref<16384xi32, #tpu.memory_space<hbm>>) target(%arg10 : memref<16384xi32, #tpu.memory_space<vmem>>) target_semaphore(%run_scoped3A : memref<!tpu.dma_semaphore, #tpu.memory_space<semaphore_mem>>)
        %dma_wait3A = tpu.memref_slice %arg3[%mul3A_118] : memref<40960000xi32, #tpu.memory_space<hbm>> -> memref<16384xi32, #tpu.memory_space<hbm>>
        %dma_wait3A_120 = tpu.memref_slice %arg3[%mul3A_118] : memref<40960000xi32, #tpu.memory_space<hbm>> -> memref<16384xi32, #tpu.memory_space<hbm>>
        tpu.wait_dma2 semaphore(%run_scoped3A : memref<!tpu.dma_semaphore, #tpu.memory_space<semaphore_mem>>) src(%dma_wait3A_120 : memref<16384xi32, #tpu.memory_space<hbm>>) dst(%arg10 : memref<16384xi32, #tpu.memory_space<vmem>>)
        tpu.yield
      }) : () -> ()
      "tpu.region"() ({
        %run_scoped3A = tpu.sem_alloc : memref<!tpu.dma_semaphore, #tpu.memory_space<semaphore_mem>>
        %dma_start3A = tpu.memref_slice %arg4[%mul3A_114] : memref<320000xf32, #tpu.memory_space<hbm>> -> memref<128xf32, #tpu.memory_space<hbm>>
        %dma_start3A_119 = tpu.memref_slice %arg4[%mul3A_114] : memref<320000xf32, #tpu.memory_space<hbm>> -> memref<128xf32, #tpu.memory_space<hbm>>
        tpu.enqueue_dma source(%dma_start3A_119 : memref<128xf32, #tpu.memory_space<hbm>>) target(%arg11 : memref<128xf32, #tpu.memory_space<vmem>>) target_semaphore(%run_scoped3A : memref<!tpu.dma_semaphore, #tpu.memory_space<semaphore_mem>>)
        %dma_wait3A = tpu.memref_slice %arg4[%mul3A_114] : memref<320000xf32, #tpu.memory_space<hbm>> -> memref<128xf32, #tpu.memory_space<hbm>>
        %dma_wait3A_120 = tpu.memref_slice %arg4[%mul3A_114] : memref<320000xf32, #tpu.memory_space<hbm>> -> memref<128xf32, #tpu.memory_space<hbm>>
        tpu.wait_dma2 semaphore(%run_scoped3A : memref<!tpu.dma_semaphore, #tpu.memory_space<semaphore_mem>>) src(%dma_wait3A_120 : memref<128xf32, #tpu.memory_space<hbm>>) dst(%arg11 : memref<128xf32, #tpu.memory_space<vmem>>)
        tpu.yield
      }) : () -> ()
      "tpu.region"() ({
        %run_scoped3A = tpu.sem_alloc : memref<!tpu.dma_semaphore, #tpu.memory_space<semaphore_mem>>
        %dma_start3A = tpu.memref_slice %arg5[%mul3A_114] : memref<320000xi32, #tpu.memory_space<hbm>> -> memref<128xi32, #tpu.memory_space<hbm>>
        %dma_start3A_119 = tpu.memref_slice %arg5[%mul3A_114] : memref<320000xi32, #tpu.memory_space<hbm>> -> memref<128xi32, #tpu.memory_space<hbm>>
        tpu.enqueue_dma source(%dma_start3A_119 : memref<128xi32, #tpu.memory_space<hbm>>) target(%arg12 : memref<128xi32, #tpu.memory_space<vmem>>) target_semaphore(%run_scoped3A : memref<!tpu.dma_semaphore, #tpu.memory_space<semaphore_mem>>)
        %dma_wait3A = tpu.memref_slice %arg5[%mul3A_114] : memref<320000xi32, #tpu.memory_space<hbm>> -> memref<128xi32, #tpu.memory_space<hbm>>
        %dma_wait3A_120 = tpu.memref_slice %arg5[%mul3A_114] : memref<320000xi32, #tpu.memory_space<hbm>> -> memref<128xi32, #tpu.memory_space<hbm>>
        tpu.wait_dma2 semaphore(%run_scoped3A : memref<!tpu.dma_semaphore, #tpu.memory_space<semaphore_mem>>) src(%dma_wait3A_120 : memref<128xi32, #tpu.memory_space<hbm>>) dst(%arg12 : memref<128xi32, #tpu.memory_space<vmem>>)
        tpu.yield
      }) : () -> ()
      "tpu.region"() ({
        %run_scoped3A = tpu.sem_alloc : memref<!tpu.dma_semaphore, #tpu.memory_space<semaphore_mem>>
        %dma_start3A = arith.constant 0 : i32
        %dma_start3A_119 = tpu.memref_slice %arg13[%dma_start3A] : memref<1280000xf32, #tpu.memory_space<vmem_shared>> -> memref<1280000xf32, #tpu.memory_space<vmem_shared>>
        tpu.enqueue_indirect_dma source(%arg9 : memref<16384xf32, #tpu.memory_space<vmem>>) target(%dma_start3A_119 : memref<1280000xf32, #tpu.memory_space<vmem_shared>>) offsets(%arg10 : memref<16384xi32, #tpu.memory_space<vmem>>) semaphore(%run_scoped3A : memref<!tpu.dma_semaphore, #tpu.memory_space<semaphore_mem>>) {add = true}
        %dma_wait3A = arith.constant 0 : i32
        %dma_wait3A_120 = tpu.memref_slice %arg13[%dma_wait3A] : memref<1280000xf32, #tpu.memory_space<vmem_shared>> -> memref<1280000xf32, #tpu.memory_space<vmem_shared>>
        tpu.wait_indirect_dma semaphore(%run_scoped3A : memref<!tpu.dma_semaphore, #tpu.memory_space<semaphore_mem>>) src(%arg9 : memref<16384xf32, #tpu.memory_space<vmem>>) dst(%dma_wait3A_120 : memref<1280000xf32, #tpu.memory_space<vmem_shared>>)
        tpu.yield
      }) : () -> ()
      "tpu.region"() ({
        %run_scoped3A = tpu.sem_alloc : memref<!tpu.dma_semaphore, #tpu.memory_space<semaphore_mem>>
        %dma_start3A = arith.constant 0 : i32
        %dma_start3A_119 = tpu.memref_slice %arg14[%dma_start3A] : memref<10000xf32, #tpu.memory_space<vmem_shared>> -> memref<10000xf32, #tpu.memory_space<vmem_shared>>
        tpu.enqueue_indirect_dma source(%arg11 : memref<128xf32, #tpu.memory_space<vmem>>) target(%dma_start3A_119 : memref<10000xf32, #tpu.memory_space<vmem_shared>>) offsets(%arg12 : memref<128xi32, #tpu.memory_space<vmem>>) semaphore(%run_scoped3A : memref<!tpu.dma_semaphore, #tpu.memory_space<semaphore_mem>>) {add = true}
        %dma_wait3A = arith.constant 0 : i32
        %dma_wait3A_120 = tpu.memref_slice %arg14[%dma_wait3A] : memref<10000xf32, #tpu.memory_space<vmem_shared>> -> memref<10000xf32, #tpu.memory_space<vmem_shared>>
        tpu.wait_indirect_dma semaphore(%run_scoped3A : memref<!tpu.dma_semaphore, #tpu.memory_space<semaphore_mem>>) src(%arg11 : memref<128xf32, #tpu.memory_space<vmem>>) dst(%dma_wait3A_120 : memref<10000xf32, #tpu.memory_space<vmem_shared>>)
        tpu.yield
      }) : () -> ()
    }
    %barrier3A_40 = arith.constant 0 : index
    tpu.barrier barrier_id(%barrier3A_40)
    %mul3A_41 = arith.constant 80000 : i32
    %mul3A_42 = arith.muli %arg1, %mul3A_41 : i32
    %add3A_43 = arith.constant 0 : i32
    %add3A_44 = arith.addi %mul3A_42, %add3A_43 : i32
    "tpu.region"() ({
      %run_scoped3A = tpu.sem_alloc : memref<!tpu.dma_semaphore, #tpu.memory_space<semaphore_mem>>
      %dma_start3A = arith.constant 0 : i32
      %dma_start3A_111 = tpu.memref_slice %arg9[%dma_start3A] : memref<16384xf32, #tpu.memory_space<vmem>> -> memref<16384xf32, #tpu.memory_space<vmem>>
      %dma_start3A_112 = tpu.memref_slice %arg13[%add3A_44] : memref<1280000xf32, #tpu.memory_space<vmem_shared>> -> memref<16384xf32, #tpu.memory_space<vmem_shared>>
      %dma_start3A_113 = arith.constant 0 : i32
      %dma_start3A_114 = tpu.memref_slice %arg9[%dma_start3A_113] : memref<16384xf32, #tpu.memory_space<vmem>> -> memref<16384xf32, #tpu.memory_space<vmem>>
      %dma_start3A_115 = tpu.memref_slice %arg13[%add3A_44] : memref<1280000xf32, #tpu.memory_space<vmem_shared>> -> memref<16384xf32, #tpu.memory_space<vmem_shared>>
      tpu.enqueue_dma source(%dma_start3A_115 : memref<16384xf32, #tpu.memory_space<vmem_shared>>) target(%dma_start3A_114 : memref<16384xf32, #tpu.memory_space<vmem>>) target_semaphore(%run_scoped3A : memref<!tpu.dma_semaphore, #tpu.memory_space<semaphore_mem>>)
      %dma_wait3A = arith.constant 0 : i32
      %dma_wait3A_116 = tpu.memref_slice %arg9[%dma_wait3A] : memref<16384xf32, #tpu.memory_space<vmem>> -> memref<16384xf32, #tpu.memory_space<vmem>>
      %dma_wait3A_117 = tpu.memref_slice %arg13[%add3A_44] : memref<1280000xf32, #tpu.memory_space<vmem_shared>> -> memref<16384xf32, #tpu.memory_space<vmem_shared>>
      %dma_wait3A_118 = arith.constant 0 : i32
      %dma_wait3A_119 = tpu.memref_slice %arg9[%dma_wait3A_118] : memref<16384xf32, #tpu.memory_space<vmem>> -> memref<16384xf32, #tpu.memory_space<vmem>>
      %dma_wait3A_120 = tpu.memref_slice %arg13[%add3A_44] : memref<1280000xf32, #tpu.memory_space<vmem_shared>> -> memref<16384xf32, #tpu.memory_space<vmem_shared>>
      tpu.wait_dma2 semaphore(%run_scoped3A : memref<!tpu.dma_semaphore, #tpu.memory_space<semaphore_mem>>) src(%dma_wait3A_120 : memref<16384xf32, #tpu.memory_space<vmem_shared>>) dst(%dma_wait3A_119 : memref<16384xf32, #tpu.memory_space<vmem>>)
      tpu.yield
    }) : () -> ()
    %mul3A_45 = arith.constant 10000 : i32
    %mul3A_46 = arith.muli %arg0, %mul3A_45 : i32
    %mul3A_47 = arith.constant 128 : i32
    %mul3A_48 = arith.muli %mul3A_46, %mul3A_47 : i32
    %mul3A_49 = arith.constant 80000 : i32
    %mul3A_50 = arith.muli %arg1, %mul3A_49 : i32
    %add3A_51 = arith.addi %mul3A_48, %mul3A_50 : i32
    %add3A_52 = arith.constant 0 : i32
    %add3A_53 = arith.addi %add3A_51, %add3A_52 : i32
    "tpu.region"() ({
      %run_scoped3A = tpu.sem_alloc : memref<!tpu.dma_semaphore, #tpu.memory_space<semaphore_mem>>
      %dma_start3A = arith.constant 0 : i32
      %dma_start3A_111 = tpu.memref_slice %arg9[%dma_start3A] : memref<16384xf32, #tpu.memory_space<vmem>> -> memref<16384xf32, #tpu.memory_space<vmem>>
      %dma_start3A_112 = tpu.memref_slice %arg7[%add3A_53] : memref<2560000xf32, #tpu.memory_space<hbm>> -> memref<16384xf32, #tpu.memory_space<hbm>>
      %dma_start3A_113 = tpu.memref_slice %arg7[%add3A_53] : memref<2560000xf32, #tpu.memory_space<hbm>> -> memref<16384xf32, #tpu.memory_space<hbm>>
      %dma_start3A_114 = arith.constant 0 : i32
      %dma_start3A_115 = tpu.memref_slice %arg9[%dma_start3A_114] : memref<16384xf32, #tpu.memory_space<vmem>> -> memref<16384xf32, #tpu.memory_space<vmem>>
      tpu.enqueue_dma source(%dma_start3A_115 : memref<16384xf32, #tpu.memory_space<vmem>>) target(%dma_start3A_113 : memref<16384xf32, #tpu.memory_space<hbm>>) target_semaphore(%run_scoped3A : memref<!tpu.dma_semaphore, #tpu.memory_space<semaphore_mem>>)
      %dma_wait3A = arith.constant 0 : i32
      %dma_wait3A_116 = tpu.memref_slice %arg9[%dma_wait3A] : memref<16384xf32, #tpu.memory_space<vmem>> -> memref<16384xf32, #tpu.memory_space<vmem>>
      %dma_wait3A_117 = tpu.memref_slice %arg7[%add3A_53] : memref<2560000xf32, #tpu.memory_space<hbm>> -> memref<16384xf32, #tpu.memory_space<hbm>>
      %dma_wait3A_118 = tpu.memref_slice %arg7[%add3A_53] : memref<2560000xf32, #tpu.memory_space<hbm>> -> memref<16384xf32, #tpu.memory_space<hbm>>
      %dma_wait3A_119 = arith.constant 0 : i32
      %dma_wait3A_120 = tpu.memref_slice %arg9[%dma_wait3A_119] : memref<16384xf32, #tpu.memory_space<vmem>> -> memref<16384xf32, #tpu.memory_space<vmem>>
      tpu.wait_dma2 semaphore(%run_scoped3A : memref<!tpu.dma_semaphore, #tpu.memory_space<semaphore_mem>>) src(%dma_wait3A_120 : memref<16384xf32, #tpu.memory_space<vmem>>) dst(%dma_wait3A_118 : memref<16384xf32, #tpu.memory_space<hbm>>)
      tpu.yield
    }) : () -> ()
    %mul3A_54 = arith.constant 80000 : i32
    %mul3A_55 = arith.muli %arg1, %mul3A_54 : i32
    %add3A_56 = arith.constant 16384 : i32
    %add3A_57 = arith.addi %mul3A_55, %add3A_56 : i32
    "tpu.region"() ({
      %run_scoped3A = tpu.sem_alloc : memref<!tpu.dma_semaphore, #tpu.memory_space<semaphore_mem>>
      %dma_start3A = arith.constant 0 : i32
      %dma_start3A_111 = tpu.memref_slice %arg9[%dma_start3A] : memref<16384xf32, #tpu.memory_space<vmem>> -> memref<16384xf32, #tpu.memory_space<vmem>>
      %dma_start3A_112 = tpu.memref_slice %arg13[%add3A_57] : memref<1280000xf32, #tpu.memory_space<vmem_shared>> -> memref<16384xf32, #tpu.memory_space<vmem_shared>>
      %dma_start3A_113 = arith.constant 0 : i32
      %dma_start3A_114 = tpu.memref_slice %arg9[%dma_start3A_113] : memref<16384xf32, #tpu.memory_space<vmem>> -> memref<16384xf32, #tpu.memory_space<vmem>>
      %dma_start3A_115 = tpu.memref_slice %arg13[%add3A_57] : memref<1280000xf32, #tpu.memory_space<vmem_shared>> -> memref<16384xf32, #tpu.memory_space<vmem_shared>>
      tpu.enqueue_dma source(%dma_start3A_115 : memref<16384xf32, #tpu.memory_space<vmem_shared>>) target(%dma_start3A_114 : memref<16384xf32, #tpu.memory_space<vmem>>) target_semaphore(%run_scoped3A : memref<!tpu.dma_semaphore, #tpu.memory_space<semaphore_mem>>)
      %dma_wait3A = arith.constant 0 : i32
      %dma_wait3A_116 = tpu.memref_slice %arg9[%dma_wait3A] : memref<16384xf32, #tpu.memory_space<vmem>> -> memref<16384xf32, #tpu.memory_space<vmem>>
      %dma_wait3A_117 = tpu.memref_slice %arg13[%add3A_57] : memref<1280000xf32, #tpu.memory_space<vmem_shared>> -> memref<16384xf32, #tpu.memory_space<vmem_shared>>
      %dma_wait3A_118 = arith.constant 0 : i32
      %dma_wait3A_119 = tpu.memref_slice %arg9[%dma_wait3A_118] : memref<16384xf32, #tpu.memory_space<vmem>> -> memref<16384xf32, #tpu.memory_space<vmem>>
      %dma_wait3A_120 = tpu.memref_slice %arg13[%add3A_57] : memref<1280000xf32, #tpu.memory_space<vmem_shared>> -> memref<16384xf32, #tpu.memory_space<vmem_shared>>
      tpu.wait_dma2 semaphore(%run_scoped3A : memref<!tpu.dma_semaphore, #tpu.memory_space<semaphore_mem>>) src(%dma_wait3A_120 : memref<16384xf32, #tpu.memory_space<vmem_shared>>) dst(%dma_wait3A_119 : memref<16384xf32, #tpu.memory_space<vmem>>)
      tpu.yield
    }) : () -> ()
    %mul3A_58 = arith.constant 10000 : i32
    %mul3A_59 = arith.muli %arg0, %mul3A_58 : i32
    %mul3A_60 = arith.constant 128 : i32
    %mul3A_61 = arith.muli %mul3A_59, %mul3A_60 : i32
    %mul3A_62 = arith.constant 80000 : i32
    %mul3A_63 = arith.muli %arg1, %mul3A_62 : i32
    %add3A_64 = arith.addi %mul3A_61, %mul3A_63 : i32
    %add3A_65 = arith.constant 16384 : i32
    %add3A_66 = arith.addi %add3A_64, %add3A_65 : i32
    "tpu.region"() ({
      %run_scoped3A = tpu.sem_alloc : memref<!tpu.dma_semaphore, #tpu.memory_space<semaphore_mem>>
      %dma_start3A = arith.constant 0 : i32
      %dma_start3A_111 = tpu.memref_slice %arg9[%dma_start3A] : memref<16384xf32, #tpu.memory_space<vmem>> -> memref<16384xf32, #tpu.memory_space<vmem>>
      %dma_start3A_112 = tpu.memref_slice %arg7[%add3A_66] : memref<2560000xf32, #tpu.memory_space<hbm>> -> memref<16384xf32, #tpu.memory_space<hbm>>
      %dma_start3A_113 = tpu.memref_slice %arg7[%add3A_66] : memref<2560000xf32, #tpu.memory_space<hbm>> -> memref<16384xf32, #tpu.memory_space<hbm>>
      %dma_start3A_114 = arith.constant 0 : i32
      %dma_start3A_115 = tpu.memref_slice %arg9[%dma_start3A_114] : memref<16384xf32, #tpu.memory_space<vmem>> -> memref<16384xf32, #tpu.memory_space<vmem>>
      tpu.enqueue_dma source(%dma_start3A_115 : memref<16384xf32, #tpu.memory_space<vmem>>) target(%dma_start3A_113 : memref<16384xf32, #tpu.memory_space<hbm>>) target_semaphore(%run_scoped3A : memref<!tpu.dma_semaphore, #tpu.memory_space<semaphore_mem>>)
      %dma_wait3A = arith.constant 0 : i32
      %dma_wait3A_116 = tpu.memref_slice %arg9[%dma_wait3A] : memref<16384xf32, #tpu.memory_space<vmem>> -> memref<16384xf32, #tpu.memory_space<vmem>>
      %dma_wait3A_117 = tpu.memref_slice %arg7[%add3A_66] : memref<2560000xf32, #tpu.memory_space<hbm>> -> memref<16384xf32, #tpu.memory_space<hbm>>
      %dma_wait3A_118 = tpu.memref_slice %arg7[%add3A_66] : memref<2560000xf32, #tpu.memory_space<hbm>> -> memref<16384xf32, #tpu.memory_space<hbm>>
      %dma_wait3A_119 = arith.constant 0 : i32
      %dma_wait3A_120 = tpu.memref_slice %arg9[%dma_wait3A_119] : memref<16384xf32, #tpu.memory_space<vmem>> -> memref<16384xf32, #tpu.memory_space<vmem>>
      tpu.wait_dma2 semaphore(%run_scoped3A : memref<!tpu.dma_semaphore, #tpu.memory_space<semaphore_mem>>) src(%dma_wait3A_120 : memref<16384xf32, #tpu.memory_space<vmem>>) dst(%dma_wait3A_118 : memref<16384xf32, #tpu.memory_space<hbm>>)
      tpu.yield
    }) : () -> ()
    %mul3A_67 = arith.constant 80000 : i32
    %mul3A_68 = arith.muli %arg1, %mul3A_67 : i32
    %add3A_69 = arith.constant 32768 : i32
    %add3A_70 = arith.addi %mul3A_68, %add3A_69 : i32
    "tpu.region"() ({
      %run_scoped3A = tpu.sem_alloc : memref<!tpu.dma_semaphore, #tpu.memory_space<semaphore_mem>>
      %dma_start3A = arith.constant 0 : i32
      %dma_start3A_111 = tpu.memref_slice %arg9[%dma_start3A] : memref<16384xf32, #tpu.memory_space<vmem>> -> memref<16384xf32, #tpu.memory_space<vmem>>
      %dma_start3A_112 = tpu.memref_slice %arg13[%add3A_70] : memref<1280000xf32, #tpu.memory_space<vmem_shared>> -> memref<16384xf32, #tpu.memory_space<vmem_shared>>
      %dma_start3A_113 = arith.constant 0 : i32
      %dma_start3A_114 = tpu.memref_slice %arg9[%dma_start3A_113] : memref<16384xf32, #tpu.memory_space<vmem>> -> memref<16384xf32, #tpu.memory_space<vmem>>
      %dma_start3A_115 = tpu.memref_slice %arg13[%add3A_70] : memref<1280000xf32, #tpu.memory_space<vmem_shared>> -> memref<16384xf32, #tpu.memory_space<vmem_shared>>
      tpu.enqueue_dma source(%dma_start3A_115 : memref<16384xf32, #tpu.memory_space<vmem_shared>>) target(%dma_start3A_114 : memref<16384xf32, #tpu.memory_space<vmem>>) target_semaphore(%run_scoped3A : memref<!tpu.dma_semaphore, #tpu.memory_space<semaphore_mem>>)
      %dma_wait3A = arith.constant 0 : i32
      %dma_wait3A_116 = tpu.memref_slice %arg9[%dma_wait3A] : memref<16384xf32, #tpu.memory_space<vmem>> -> memref<16384xf32, #tpu.memory_space<vmem>>
      %dma_wait3A_117 = tpu.memref_slice %arg13[%add3A_70] : memref<1280000xf32, #tpu.memory_space<vmem_shared>> -> memref<16384xf32, #tpu.memory_space<vmem_shared>>
      %dma_wait3A_118 = arith.constant 0 : i32
      %dma_wait3A_119 = tpu.memref_slice %arg9[%dma_wait3A_118] : memref<16384xf32, #tpu.memory_space<vmem>> -> memref<16384xf32, #tpu.memory_space<vmem>>
      %dma_wait3A_120 = tpu.memref_slice %arg13[%add3A_70] : memref<1280000xf32, #tpu.memory_space<vmem_shared>> -> memref<16384xf32, #tpu.memory_space<vmem_shared>>
      tpu.wait_dma2 semaphore(%run_scoped3A : memref<!tpu.dma_semaphore, #tpu.memory_space<semaphore_mem>>) src(%dma_wait3A_120 : memref<16384xf32, #tpu.memory_space<vmem_shared>>) dst(%dma_wait3A_119 : memref<16384xf32, #tpu.memory_space<vmem>>)
      tpu.yield
    }) : () -> ()
    %mul3A_71 = arith.constant 10000 : i32
    %mul3A_72 = arith.muli %arg0, %mul3A_71 : i32
    %mul3A_73 = arith.constant 128 : i32
    %mul3A_74 = arith.muli %mul3A_72, %mul3A_73 : i32
    %mul3A_75 = arith.constant 80000 : i32
    %mul3A_76 = arith.muli %arg1, %mul3A_75 : i32
    %add3A_77 = arith.addi %mul3A_74, %mul3A_76 : i32
    %add3A_78 = arith.constant 32768 : i32
    %add3A_79 = arith.addi %add3A_77, %add3A_78 : i32
    "tpu.region"() ({
      %run_scoped3A = tpu.sem_alloc : memref<!tpu.dma_semaphore, #tpu.memory_space<semaphore_mem>>
      %dma_start3A = arith.constant 0 : i32
      %dma_start3A_111 = tpu.memref_slice %arg9[%dma_start3A] : memref<16384xf32, #tpu.memory_space<vmem>> -> memref<16384xf32, #tpu.memory_space<vmem>>
      %dma_start3A_112 = tpu.memref_slice %arg7[%add3A_79] : memref<2560000xf32, #tpu.memory_space<hbm>> -> memref<16384xf32, #tpu.memory_space<hbm>>
      %dma_start3A_113 = tpu.memref_slice %arg7[%add3A_79] : memref<2560000xf32, #tpu.memory_space<hbm>> -> memref<16384xf32, #tpu.memory_space<hbm>>
      %dma_start3A_114 = arith.constant 0 : i32
      %dma_start3A_115 = tpu.memref_slice %arg9[%dma_start3A_114] : memref<16384xf32, #tpu.memory_space<vmem>> -> memref<16384xf32, #tpu.memory_space<vmem>>
      tpu.enqueue_dma source(%dma_start3A_115 : memref<16384xf32, #tpu.memory_space<vmem>>) target(%dma_start3A_113 : memref<16384xf32, #tpu.memory_space<hbm>>) target_semaphore(%run_scoped3A : memref<!tpu.dma_semaphore, #tpu.memory_space<semaphore_mem>>)
      %dma_wait3A = arith.constant 0 : i32
      %dma_wait3A_116 = tpu.memref_slice %arg9[%dma_wait3A] : memref<16384xf32, #tpu.memory_space<vmem>> -> memref<16384xf32, #tpu.memory_space<vmem>>
      %dma_wait3A_117 = tpu.memref_slice %arg7[%add3A_79] : memref<2560000xf32, #tpu.memory_space<hbm>> -> memref<16384xf32, #tpu.memory_space<hbm>>
      %dma_wait3A_118 = tpu.memref_slice %arg7[%add3A_79] : memref<2560000xf32, #tpu.memory_space<hbm>> -> memref<16384xf32, #tpu.memory_space<hbm>>
      %dma_wait3A_119 = arith.constant 0 : i32
      %dma_wait3A_120 = tpu.memref_slice %arg9[%dma_wait3A_119] : memref<16384xf32, #tpu.memory_space<vmem>> -> memref<16384xf32, #tpu.memory_space<vmem>>
      tpu.wait_dma2 semaphore(%run_scoped3A : memref<!tpu.dma_semaphore, #tpu.memory_space<semaphore_mem>>) src(%dma_wait3A_120 : memref<16384xf32, #tpu.memory_space<vmem>>) dst(%dma_wait3A_118 : memref<16384xf32, #tpu.memory_space<hbm>>)
      tpu.yield
    }) : () -> ()
    %mul3A_80 = arith.constant 80000 : i32
    %mul3A_81 = arith.muli %arg1, %mul3A_80 : i32
    %add3A_82 = arith.constant 49152 : i32
    %add3A_83 = arith.addi %mul3A_81, %add3A_82 : i32
    "tpu.region"() ({
      %run_scoped3A = tpu.sem_alloc : memref<!tpu.dma_semaphore, #tpu.memory_space<semaphore_mem>>
      %dma_start3A = arith.constant 0 : i32
      %dma_start3A_111 = tpu.memref_slice %arg9[%dma_start3A] : memref<16384xf32, #tpu.memory_space<vmem>> -> memref<16384xf32, #tpu.memory_space<vmem>>
      %dma_start3A_112 = tpu.memref_slice %arg13[%add3A_83] : memref<1280000xf32, #tpu.memory_space<vmem_shared>> -> memref<16384xf32, #tpu.memory_space<vmem_shared>>
      %dma_start3A_113 = arith.constant 0 : i32
      %dma_start3A_114 = tpu.memref_slice %arg9[%dma_start3A_113] : memref<16384xf32, #tpu.memory_space<vmem>> -> memref<16384xf32, #tpu.memory_space<vmem>>
      %dma_start3A_115 = tpu.memref_slice %arg13[%add3A_83] : memref<1280000xf32, #tpu.memory_space<vmem_shared>> -> memref<16384xf32, #tpu.memory_space<vmem_shared>>
      tpu.enqueue_dma source(%dma_start3A_115 : memref<16384xf32, #tpu.memory_space<vmem_shared>>) target(%dma_start3A_114 : memref<16384xf32, #tpu.memory_space<vmem>>) target_semaphore(%run_scoped3A : memref<!tpu.dma_semaphore, #tpu.memory_space<semaphore_mem>>)
      %dma_wait3A = arith.constant 0 : i32
      %dma_wait3A_116 = tpu.memref_slice %arg9[%dma_wait3A] : memref<16384xf32, #tpu.memory_space<vmem>> -> memref<16384xf32, #tpu.memory_space<vmem>>
      %dma_wait3A_117 = tpu.memref_slice %arg13[%add3A_83] : memref<1280000xf32, #tpu.memory_space<vmem_shared>> -> memref<16384xf32, #tpu.memory_space<vmem_shared>>
      %dma_wait3A_118 = arith.constant 0 : i32
      %dma_wait3A_119 = tpu.memref_slice %arg9[%dma_wait3A_118] : memref<16384xf32, #tpu.memory_space<vmem>> -> memref<16384xf32, #tpu.memory_space<vmem>>
      %dma_wait3A_120 = tpu.memref_slice %arg13[%add3A_83] : memref<1280000xf32, #tpu.memory_space<vmem_shared>> -> memref<16384xf32, #tpu.memory_space<vmem_shared>>
      tpu.wait_dma2 semaphore(%run_scoped3A : memref<!tpu.dma_semaphore, #tpu.memory_space<semaphore_mem>>) src(%dma_wait3A_120 : memref<16384xf32, #tpu.memory_space<vmem_shared>>) dst(%dma_wait3A_119 : memref<16384xf32, #tpu.memory_space<vmem>>)
      tpu.yield
    }) : () -> ()
    %mul3A_84 = arith.constant 10000 : i32
    %mul3A_85 = arith.muli %arg0, %mul3A_84 : i32
    %mul3A_86 = arith.constant 128 : i32
    %mul3A_87 = arith.muli %mul3A_85, %mul3A_86 : i32
    %mul3A_88 = arith.constant 80000 : i32
    %mul3A_89 = arith.muli %arg1, %mul3A_88 : i32
    %add3A_90 = arith.addi %mul3A_87, %mul3A_89 : i32
    %add3A_91 = arith.constant 49152 : i32
    %add3A_92 = arith.addi %add3A_90, %add3A_91 : i32
    "tpu.region"() ({
      %run_scoped3A = tpu.sem_alloc : memref<!tpu.dma_semaphore, #tpu.memory_space<semaphore_mem>>
      %dma_start3A = arith.constant 0 : i32
      %dma_start3A_111 = tpu.memref_slice %arg9[%dma_start3A] : memref<16384xf32, #tpu.memory_space<vmem>> -> memref<16384xf32, #tpu.memory_space<vmem>>
      %dma_start3A_112 = tpu.memref_slice %arg7[%add3A_92] : memref<2560000xf32, #tpu.memory_space<hbm>> -> memref<16384xf32, #tpu.memory_space<hbm>>
      %dma_start3A_113 = tpu.memref_slice %arg7[%add3A_92] : memref<2560000xf32, #tpu.memory_space<hbm>> -> memref<16384xf32, #tpu.memory_space<hbm>>
      %dma_start3A_114 = arith.constant 0 : i32
      %dma_start3A_115 = tpu.memref_slice %arg9[%dma_start3A_114] : memref<16384xf32, #tpu.memory_space<vmem>> -> memref<16384xf32, #tpu.memory_space<vmem>>
      tpu.enqueue_dma source(%dma_start3A_115 : memref<16384xf32, #tpu.memory_space<vmem>>) target(%dma_start3A_113 : memref<16384xf32, #tpu.memory_space<hbm>>) target_semaphore(%run_scoped3A : memref<!tpu.dma_semaphore, #tpu.memory_space<semaphore_mem>>)
      %dma_wait3A = arith.constant 0 : i32
      %dma_wait3A_116 = tpu.memref_slice %arg9[%dma_wait3A] : memref<16384xf32, #tpu.memory_space<vmem>> -> memref<16384xf32, #tpu.memory_space<vmem>>
      %dma_wait3A_117 = tpu.memref_slice %arg7[%add3A_92] : memref<2560000xf32, #tpu.memory_space<hbm>> -> memref<16384xf32, #tpu.memory_space<hbm>>
      %dma_wait3A_118 = tpu.memref_slice %arg7[%add3A_92] : memref<2560000xf32, #tpu.memory_space<hbm>> -> memref<16384xf32, #tpu.memory_space<hbm>>
      %dma_wait3A_119 = arith.constant 0 : i32
      %dma_wait3A_120 = tpu.memref_slice %arg9[%dma_wait3A_119] : memref<16384xf32, #tpu.memory_space<vmem>> -> memref<16384xf32, #tpu.memory_space<vmem>>
      tpu.wait_dma2 semaphore(%run_scoped3A : memref<!tpu.dma_semaphore, #tpu.memory_space<semaphore_mem>>) src(%dma_wait3A_120 : memref<16384xf32, #tpu.memory_space<vmem>>) dst(%dma_wait3A_118 : memref<16384xf32, #tpu.memory_space<hbm>>)
      tpu.yield
    }) : () -> ()
    %mul3A_93 = arith.constant 80000 : i32
    %mul3A_94 = arith.muli %arg1, %mul3A_93 : i32
    %add3A_95 = arith.constant 65536 : i32
    %add3A_96 = arith.addi %mul3A_94, %add3A_95 : i32
    "tpu.region"() ({
      %run_scoped3A = tpu.sem_alloc : memref<!tpu.dma_semaphore, #tpu.memory_space<semaphore_mem>>
      %dma_start3A = arith.constant 0 : i32
      %dma_start3A_111 = tpu.memref_slice %arg9[%dma_start3A] : memref<16384xf32, #tpu.memory_space<vmem>> -> memref<14464xf32, #tpu.memory_space<vmem>>
      %dma_start3A_112 = tpu.memref_slice %arg13[%add3A_96] : memref<1280000xf32, #tpu.memory_space<vmem_shared>> -> memref<14464xf32, #tpu.memory_space<vmem_shared>>
      %dma_start3A_113 = arith.constant 0 : i32
      %dma_start3A_114 = tpu.memref_slice %arg9[%dma_start3A_113] : memref<16384xf32, #tpu.memory_space<vmem>> -> memref<14464xf32, #tpu.memory_space<vmem>>
      %dma_start3A_115 = tpu.memref_slice %arg13[%add3A_96] : memref<1280000xf32, #tpu.memory_space<vmem_shared>> -> memref<14464xf32, #tpu.memory_space<vmem_shared>>
      tpu.enqueue_dma source(%dma_start3A_115 : memref<14464xf32, #tpu.memory_space<vmem_shared>>) target(%dma_start3A_114 : memref<14464xf32, #tpu.memory_space<vmem>>) target_semaphore(%run_scoped3A : memref<!tpu.dma_semaphore, #tpu.memory_space<semaphore_mem>>)
      %dma_wait3A = arith.constant 0 : i32
      %dma_wait3A_116 = tpu.memref_slice %arg9[%dma_wait3A] : memref<16384xf32, #tpu.memory_space<vmem>> -> memref<14464xf32, #tpu.memory_space<vmem>>
      %dma_wait3A_117 = tpu.memref_slice %arg13[%add3A_96] : memref<1280000xf32, #tpu.memory_space<vmem_shared>> -> memref<14464xf32, #tpu.memory_space<vmem_shared>>
      %dma_wait3A_118 = arith.constant 0 : i32
      %dma_wait3A_119 = tpu.memref_slice %arg9[%dma_wait3A_118] : memref<16384xf32, #tpu.memory_space<vmem>> -> memref<14464xf32, #tpu.memory_space<vmem>>
      %dma_wait3A_120 = tpu.memref_slice %arg13[%add3A_96] : memref<1280000xf32, #tpu.memory_space<vmem_shared>> -> memref<14464xf32, #tpu.memory_space<vmem_shared>>
      tpu.wait_dma2 semaphore(%run_scoped3A : memref<!tpu.dma_semaphore, #tpu.memory_space<semaphore_mem>>) src(%dma_wait3A_120 : memref<14464xf32, #tpu.memory_space<vmem_shared>>) dst(%dma_wait3A_119 : memref<14464xf32, #tpu.memory_space<vmem>>)
      tpu.yield
    }) : () -> ()
    %mul3A_97 = arith.constant 10000 : i32
    %mul3A_98 = arith.muli %arg0, %mul3A_97 : i32
    %mul3A_99 = arith.constant 128 : i32
    %mul3A_100 = arith.muli %mul3A_98, %mul3A_99 : i32
    %mul3A_101 = arith.constant 80000 : i32
    %mul3A_102 = arith.muli %arg1, %mul3A_101 : i32
    %add3A_103 = arith.addi %mul3A_100, %mul3A_102 : i32
    %add3A_104 = arith.constant 65536 : i32
    %add3A_105 = arith.addi %add3A_103, %add3A_104 : i32
    "tpu.region"() ({
      %run_scoped3A = tpu.sem_alloc : memref<!tpu.dma_semaphore, #tpu.memory_space<semaphore_mem>>
      %dma_start3A = arith.constant 0 : i32
      %dma_start3A_111 = tpu.memref_slice %arg9[%dma_start3A] : memref<16384xf32, #tpu.memory_space<vmem>> -> memref<14464xf32, #tpu.memory_space<vmem>>
      %dma_start3A_112 = tpu.memref_slice %arg7[%add3A_105] : memref<2560000xf32, #tpu.memory_space<hbm>> -> memref<14464xf32, #tpu.memory_space<hbm>>
      %dma_start3A_113 = tpu.memref_slice %arg7[%add3A_105] : memref<2560000xf32, #tpu.memory_space<hbm>> -> memref<14464xf32, #tpu.memory_space<hbm>>
      %dma_start3A_114 = arith.constant 0 : i32
      %dma_start3A_115 = tpu.memref_slice %arg9[%dma_start3A_114] : memref<16384xf32, #tpu.memory_space<vmem>> -> memref<14464xf32, #tpu.memory_space<vmem>>
      tpu.enqueue_dma source(%dma_start3A_115 : memref<14464xf32, #tpu.memory_space<vmem>>) target(%dma_start3A_113 : memref<14464xf32, #tpu.memory_space<hbm>>) target_semaphore(%run_scoped3A : memref<!tpu.dma_semaphore, #tpu.memory_space<semaphore_mem>>)
      %dma_wait3A = arith.constant 0 : i32
      %dma_wait3A_116 = tpu.memref_slice %arg9[%dma_wait3A] : memref<16384xf32, #tpu.memory_space<vmem>> -> memref<14464xf32, #tpu.memory_space<vmem>>
      %dma_wait3A_117 = tpu.memref_slice %arg7[%add3A_105] : memref<2560000xf32, #tpu.memory_space<hbm>> -> memref<14464xf32, #tpu.memory_space<hbm>>
      %dma_wait3A_118 = tpu.memref_slice %arg7[%add3A_105] : memref<2560000xf32, #tpu.memory_space<hbm>> -> memref<14464xf32, #tpu.memory_space<hbm>>
      %dma_wait3A_119 = arith.constant 0 : i32
      %dma_wait3A_120 = tpu.memref_slice %arg9[%dma_wait3A_119] : memref<16384xf32, #tpu.memory_space<vmem>> -> memref<14464xf32, #tpu.memory_space<vmem>>
      tpu.wait_dma2 semaphore(%run_scoped3A : memref<!tpu.dma_semaphore, #tpu.memory_space<semaphore_mem>>) src(%dma_wait3A_120 : memref<14464xf32, #tpu.memory_space<vmem>>) dst(%dma_wait3A_118 : memref<14464xf32, #tpu.memory_space<hbm>>)
      tpu.yield
    }) : () -> ()
    %eq3A_106 = arith.constant 0 : i32
    %eq3A_107 = arith.cmpi eq, %arg1, %eq3A_106 : i32
    %convert_element_type3A_108 = arith.extui %eq3A_107 : i1 to i32
    %cond3A_109 = arith.constant 0 : i32
    %cond3A_110 = arith.cmpi ne, %convert_element_type3A_108, %cond3A_109 : i32
    scf.if %cond3A_110 {
      "tpu.region"() ({
        %run_scoped3A = tpu.sem_alloc : memref<!tpu.dma_semaphore, #tpu.memory_space<semaphore_mem>>
        %dma_start3A = arith.constant 0 : i32
        %dma_start3A_113 = tpu.memref_slice %arg9[%dma_start3A] : memref<16384xf32, #tpu.memory_space<vmem>> -> memref<10000xf32, #tpu.memory_space<vmem>>
        %dma_start3A_114 = arith.constant 0 : i32
        %dma_start3A_115 = tpu.memref_slice %arg9[%dma_start3A_114] : memref<16384xf32, #tpu.memory_space<vmem>> -> memref<10000xf32, #tpu.memory_space<vmem>>
        tpu.enqueue_dma source(%arg14 : memref<10000xf32, #tpu.memory_space<vmem_shared>>) target(%dma_start3A_115 : memref<10000xf32, #tpu.memory_space<vmem>>) target_semaphore(%run_scoped3A : memref<!tpu.dma_semaphore, #tpu.memory_space<semaphore_mem>>)
        %dma_wait3A = arith.constant 0 : i32
        %dma_wait3A_116 = tpu.memref_slice %arg9[%dma_wait3A] : memref<16384xf32, #tpu.memory_space<vmem>> -> memref<10000xf32, #tpu.memory_space<vmem>>
        %dma_wait3A_117 = arith.constant 0 : i32
        %dma_wait3A_118 = tpu.memref_slice %arg9[%dma_wait3A_117] : memref<16384xf32, #tpu.memory_space<vmem>> -> memref<10000xf32, #tpu.memory_space<vmem>>
        tpu.wait_dma2 semaphore(%run_scoped3A : memref<!tpu.dma_semaphore, #tpu.memory_space<semaphore_mem>>) src(%arg14 : memref<10000xf32, #tpu.memory_space<vmem_shared>>) dst(%dma_wait3A_118 : memref<10000xf32, #tpu.memory_space<vmem>>)
        tpu.yield
      }) : () -> ()
      %mul3A_111 = arith.constant 10000 : i32
      %mul3A_112 = arith.muli %arg0, %mul3A_111 : i32
      "tpu.region"() ({
        %run_scoped3A = tpu.sem_alloc : memref<!tpu.dma_semaphore, #tpu.memory_space<semaphore_mem>>
        %dma_start3A = arith.constant 0 : i32
        %dma_start3A_113 = tpu.memref_slice %arg9[%dma_start3A] : memref<16384xf32, #tpu.memory_space<vmem>> -> memref<10000xf32, #tpu.memory_space<vmem>>
        %dma_start3A_114 = tpu.memref_slice %arg8[%mul3A_112] : memref<20000xf32, #tpu.memory_space<hbm>> -> memref<10000xf32, #tpu.memory_space<hbm>>
        %dma_start3A_115 = tpu.memref_slice %arg8[%mul3A_112] : memref<20000xf32, #tpu.memory_space<hbm>> -> memref<10000xf32, #tpu.memory_space<hbm>>
        %dma_start3A_116 = arith.constant 0 : i32
        %dma_start3A_117 = tpu.memref_slice %arg9[%dma_start3A_116] : memref<16384xf32, #tpu.memory_space<vmem>> -> memref<10000xf32, #tpu.memory_space<vmem>>
        tpu.enqueue_dma source(%dma_start3A_117 : memref<10000xf32, #tpu.memory_space<vmem>>) target(%dma_start3A_115 : memref<10000xf32, #tpu.memory_space<hbm>>) target_semaphore(%run_scoped3A : memref<!tpu.dma_semaphore, #tpu.memory_space<semaphore_mem>>)
        %dma_wait3A = arith.constant 0 : i32
        %dma_wait3A_118 = tpu.memref_slice %arg9[%dma_wait3A] : memref<16384xf32, #tpu.memory_space<vmem>> -> memref<10000xf32, #tpu.memory_space<vmem>>
        %dma_wait3A_119 = tpu.memref_slice %arg8[%mul3A_112] : memref<20000xf32, #tpu.memory_space<hbm>> -> memref<10000xf32, #tpu.memory_space<hbm>>
        %dma_wait3A_120 = tpu.memref_slice %arg8[%mul3A_112] : memref<20000xf32, #tpu.memory_space<hbm>> -> memref<10000xf32, #tpu.memory_space<hbm>>
        %dma_wait3A_121 = arith.constant 0 : i32
        %dma_wait3A_122 = tpu.memref_slice %arg9[%dma_wait3A_121] : memref<16384xf32, #tpu.memory_space<vmem>> -> memref<10000xf32, #tpu.memory_space<vmem>>
        tpu.wait_dma2 semaphore(%run_scoped3A : memref<!tpu.dma_semaphore, #tpu.memory_space<semaphore_mem>>) src(%dma_wait3A_122 : memref<10000xf32, #tpu.memory_space<vmem>>) dst(%dma_wait3A_120 : memref<10000xf32, #tpu.memory_space<hbm>>)
        tpu.yield
      }) : () -> ()
    } else {
    }
    return
  }
}

#map = affine_map<(d0, d1) -> (0, 0)>
#map1 = affine_map<(d0, d1) -> (0)>
module attributes {stable_mosaic.version = 14 : i64} {
  func.func @_gather_body(%arg0: i32, %arg1: i32, %arg2: memref<10000x128xf32, #tpu.memory_space<hbm>>, %arg3: memref<320000xi32, #tpu.memory_space<hbm>>, %arg4: memref<320000x128xf32, #tpu.memory_space<hbm>>, %arg5: memref<512xi32, #tpu.memory_space<vmem>>, %arg6: memref<512x128xf32, #tpu.memory_space<vmem>>, %arg7: memref<!tpu.dma_semaphore, #tpu.memory_space<semaphore_mem>>) attributes {dimension_semantics = [#tpu.dimension_semantics<core_parallel>, #tpu.dimension_semantics<subcore_parallel>], iteration_bounds = array<i64: 2, 16>, scalar_prefetch = 0 : i64, scratch_operands = 3 : i64, tpu.core_type = #tpu.core_type<sc_vector_subcore>, window_params = [{transform_indices = #map}, {transform_indices = #map1}, {transform_indices = #map}]} {
    %mul3A = arith.constant 2 : i32
    %mul3A_0 = arith.muli %arg1, %mul3A : i32
    %add3A = arith.addi %mul3A_0, %arg0 : i32
    %lt3A = arith.constant 17 : i32
    %lt3A_1 = arith.cmpi slt, %add3A, %lt3A : i32
    %jit3A = arith.constant 1 : i32
    %jit3A_2 = arith.constant 0 : i32
    %select_n3A = arith.select %lt3A_1, %jit3A, %jit3A_2 : i32
    %add3A_3 = arith.constant 19 : i32
    %add3A_4 = arith.addi %add3A_3, %select_n3A : i32
    %mul3A_5 = arith.constant 19 : i32
    %mul3A_6 = arith.muli %mul3A_5, %add3A : i32
    %min3A = arith.constant 17 : i32
    %min3A_7 = arith.minsi %add3A, %min3A : i32
    %add3A_8 = arith.addi %mul3A_6, %min3A_7 : i32
    %while3A = arith.constant 0 : i32
    %while3A_9 = arith.constant 0 : i32
    %while3A_10 = arith.subi %add3A_4, %while3A_9 : i32
    %while3A_11 = arith.addi %while3A_9, %while3A_10 : i32
    %while3A_12 = arith.constant 1 : i32
    %while3A_13 = arith.divsi %while3A_10, %while3A_12 : i32
    %while3A_14 = arith.muli %while3A_13, %while3A_12 : i32
    %while3A_15 = arith.addi %while3A_9, %while3A_14 : i32
    %while3A_16 = arith.constant 1 : i32
    scf.for %while3A_18 = %while3A_9 to %while3A_15 step %while3A_16  : i32 {
      %add3A_19 = arith.addi %add3A_8, %while3A_18 : i32
      %mul3A_20 = arith.constant 512 : i32
      %mul3A_21 = arith.muli %add3A_19, %mul3A_20 : i32
      "tpu.region"() ({
        %run_scoped3A = tpu.sem_alloc : memref<!tpu.dma_semaphore, #tpu.memory_space<semaphore_mem>>
        %dma_start3A_26 = tpu.memref_slice %arg3[%mul3A_21] : memref<320000xi32, #tpu.memory_space<hbm>> -> memref<512xi32, #tpu.memory_space<hbm>>
        %dma_start3A_27 = tpu.memref_slice %arg3[%mul3A_21] : memref<320000xi32, #tpu.memory_space<hbm>> -> memref<512xi32, #tpu.memory_space<hbm>>
        tpu.enqueue_dma source(%dma_start3A_27 : memref<512xi32, #tpu.memory_space<hbm>>) target(%arg5 : memref<512xi32, #tpu.memory_space<vmem>>) target_semaphore(%run_scoped3A : memref<!tpu.dma_semaphore, #tpu.memory_space<semaphore_mem>>)
        %dma_wait3A_28 = tpu.memref_slice %arg3[%mul3A_21] : memref<320000xi32, #tpu.memory_space<hbm>> -> memref<512xi32, #tpu.memory_space<hbm>>
        %dma_wait3A_29 = tpu.memref_slice %arg3[%mul3A_21] : memref<320000xi32, #tpu.memory_space<hbm>> -> memref<512xi32, #tpu.memory_space<hbm>>
        tpu.wait_dma2 semaphore(%run_scoped3A : memref<!tpu.dma_semaphore, #tpu.memory_space<semaphore_mem>>) src(%dma_wait3A_29 : memref<512xi32, #tpu.memory_space<hbm>>) dst(%arg5 : memref<512xi32, #tpu.memory_space<vmem>>)
        tpu.yield
      }) : () -> ()
      %dma_start3A = arith.constant 0 : i32
      %dma_start3A_22 = arith.constant 0 : i32
      %dma_start3A_23 = tpu.memref_slice %arg2[%dma_start3A, %dma_start3A_22] : memref<10000x128xf32, #tpu.memory_space<hbm>> -> memref<10000x128xf32, #tpu.memory_space<hbm>>
      tpu.enqueue_indirect_dma source(%dma_start3A_23 : memref<10000x128xf32, #tpu.memory_space<hbm>>) target(%arg6 : memref<512x128xf32, #tpu.memory_space<vmem>>) offsets(%arg5 : memref<512xi32, #tpu.memory_space<vmem>>) semaphore(%arg7 : memref<!tpu.dma_semaphore, #tpu.memory_space<semaphore_mem>>)
      %dma_wait3A = arith.constant 0 : i32
      %dma_wait3A_24 = arith.constant 0 : i32
      %dma_wait3A_25 = tpu.memref_slice %arg2[%dma_wait3A, %dma_wait3A_24] : memref<10000x128xf32, #tpu.memory_space<hbm>> -> memref<10000x128xf32, #tpu.memory_space<hbm>>
      tpu.wait_indirect_dma semaphore(%arg7 : memref<!tpu.dma_semaphore, #tpu.memory_space<semaphore_mem>>) src(%dma_wait3A_25 : memref<10000x128xf32, #tpu.memory_space<hbm>>) dst(%arg6 : memref<512x128xf32, #tpu.memory_space<vmem>>)
      "tpu.region"() ({
        %run_scoped3A = tpu.sem_alloc : memref<!tpu.dma_semaphore, #tpu.memory_space<semaphore_mem>>
        %dma_start3A_26 = arith.constant 0 : i32
        %dma_start3A_27 = tpu.memref_slice %arg4[%mul3A_21, %dma_start3A_26] : memref<320000x128xf32, #tpu.memory_space<hbm>> -> memref<512x128xf32, #tpu.memory_space<hbm>>
        %dma_start3A_28 = arith.constant 0 : i32
        %dma_start3A_29 = tpu.memref_slice %arg4[%mul3A_21, %dma_start3A_28] : memref<320000x128xf32, #tpu.memory_space<hbm>> -> memref<512x128xf32, #tpu.memory_space<hbm>>
        tpu.enqueue_dma source(%arg6 : memref<512x128xf32, #tpu.memory_space<vmem>>) target(%dma_start3A_29 : memref<512x128xf32, #tpu.memory_space<hbm>>) target_semaphore(%run_scoped3A : memref<!tpu.dma_semaphore, #tpu.memory_space<semaphore_mem>>)
        %dma_wait3A_30 = arith.constant 0 : i32
        %dma_wait3A_31 = tpu.memref_slice %arg4[%mul3A_21, %dma_wait3A_30] : memref<320000x128xf32, #tpu.memory_space<hbm>> -> memref<512x128xf32, #tpu.memory_space<hbm>>
        %dma_wait3A_32 = arith.constant 0 : i32
        %dma_wait3A_33 = tpu.memref_slice %arg4[%mul3A_21, %dma_wait3A_32] : memref<320000x128xf32, #tpu.memory_space<hbm>> -> memref<512x128xf32, #tpu.memory_space<hbm>>
        tpu.wait_dma2 semaphore(%run_scoped3A : memref<!tpu.dma_semaphore, #tpu.memory_space<semaphore_mem>>) src(%arg6 : memref<512x128xf32, #tpu.memory_space<vmem>>) dst(%dma_wait3A_33 : memref<512x128xf32, #tpu.memory_space<hbm>>)
        tpu.yield
      }) : () -> ()
    }
    %while3A_17 = arith.constant 1 : i32
    scf.for %while3A_18 = %while3A_15 to %while3A_11 step %while3A_17  : i32 {
      %add3A_19 = arith.addi %add3A_8, %while3A_18 : i32
      %mul3A_20 = arith.constant 512 : i32
      %mul3A_21 = arith.muli %add3A_19, %mul3A_20 : i32
      "tpu.region"() ({
        %run_scoped3A = tpu.sem_alloc : memref<!tpu.dma_semaphore, #tpu.memory_space<semaphore_mem>>
        %dma_start3A_26 = tpu.memref_slice %arg3[%mul3A_21] : memref<320000xi32, #tpu.memory_space<hbm>> -> memref<512xi32, #tpu.memory_space<hbm>>
        %dma_start3A_27 = tpu.memref_slice %arg3[%mul3A_21] : memref<320000xi32, #tpu.memory_space<hbm>> -> memref<512xi32, #tpu.memory_space<hbm>>
        tpu.enqueue_dma source(%dma_start3A_27 : memref<512xi32, #tpu.memory_space<hbm>>) target(%arg5 : memref<512xi32, #tpu.memory_space<vmem>>) target_semaphore(%run_scoped3A : memref<!tpu.dma_semaphore, #tpu.memory_space<semaphore_mem>>)
        %dma_wait3A_28 = tpu.memref_slice %arg3[%mul3A_21] : memref<320000xi32, #tpu.memory_space<hbm>> -> memref<512xi32, #tpu.memory_space<hbm>>
        %dma_wait3A_29 = tpu.memref_slice %arg3[%mul3A_21] : memref<320000xi32, #tpu.memory_space<hbm>> -> memref<512xi32, #tpu.memory_space<hbm>>
        tpu.wait_dma2 semaphore(%run_scoped3A : memref<!tpu.dma_semaphore, #tpu.memory_space<semaphore_mem>>) src(%dma_wait3A_29 : memref<512xi32, #tpu.memory_space<hbm>>) dst(%arg5 : memref<512xi32, #tpu.memory_space<vmem>>)
        tpu.yield
      }) : () -> ()
      %dma_start3A = arith.constant 0 : i32
      %dma_start3A_22 = arith.constant 0 : i32
      %dma_start3A_23 = tpu.memref_slice %arg2[%dma_start3A, %dma_start3A_22] : memref<10000x128xf32, #tpu.memory_space<hbm>> -> memref<10000x128xf32, #tpu.memory_space<hbm>>
      tpu.enqueue_indirect_dma source(%dma_start3A_23 : memref<10000x128xf32, #tpu.memory_space<hbm>>) target(%arg6 : memref<512x128xf32, #tpu.memory_space<vmem>>) offsets(%arg5 : memref<512xi32, #tpu.memory_space<vmem>>) semaphore(%arg7 : memref<!tpu.dma_semaphore, #tpu.memory_space<semaphore_mem>>)
      %dma_wait3A = arith.constant 0 : i32
      %dma_wait3A_24 = arith.constant 0 : i32
      %dma_wait3A_25 = tpu.memref_slice %arg2[%dma_wait3A, %dma_wait3A_24] : memref<10000x128xf32, #tpu.memory_space<hbm>> -> memref<10000x128xf32, #tpu.memory_space<hbm>>
      tpu.wait_indirect_dma semaphore(%arg7 : memref<!tpu.dma_semaphore, #tpu.memory_space<semaphore_mem>>) src(%dma_wait3A_25 : memref<10000x128xf32, #tpu.memory_space<hbm>>) dst(%arg6 : memref<512x128xf32, #tpu.memory_space<vmem>>)
      "tpu.region"() ({
        %run_scoped3A = tpu.sem_alloc : memref<!tpu.dma_semaphore, #tpu.memory_space<semaphore_mem>>
        %dma_start3A_26 = arith.constant 0 : i32
        %dma_start3A_27 = tpu.memref_slice %arg4[%mul3A_21, %dma_start3A_26] : memref<320000x128xf32, #tpu.memory_space<hbm>> -> memref<512x128xf32, #tpu.memory_space<hbm>>
        %dma_start3A_28 = arith.constant 0 : i32
        %dma_start3A_29 = tpu.memref_slice %arg4[%mul3A_21, %dma_start3A_28] : memref<320000x128xf32, #tpu.memory_space<hbm>> -> memref<512x128xf32, #tpu.memory_space<hbm>>
        tpu.enqueue_dma source(%arg6 : memref<512x128xf32, #tpu.memory_space<vmem>>) target(%dma_start3A_29 : memref<512x128xf32, #tpu.memory_space<hbm>>) target_semaphore(%run_scoped3A : memref<!tpu.dma_semaphore, #tpu.memory_space<semaphore_mem>>)
        %dma_wait3A_30 = arith.constant 0 : i32
        %dma_wait3A_31 = tpu.memref_slice %arg4[%mul3A_21, %dma_wait3A_30] : memref<320000x128xf32, #tpu.memory_space<hbm>> -> memref<512x128xf32, #tpu.memory_space<hbm>>
        %dma_wait3A_32 = arith.constant 0 : i32
        %dma_wait3A_33 = tpu.memref_slice %arg4[%mul3A_21, %dma_wait3A_32] : memref<320000x128xf32, #tpu.memory_space<hbm>> -> memref<512x128xf32, #tpu.memory_space<hbm>>
        tpu.wait_dma2 semaphore(%run_scoped3A : memref<!tpu.dma_semaphore, #tpu.memory_space<semaphore_mem>>) src(%arg6 : memref<512x128xf32, #tpu.memory_space<vmem>>) dst(%dma_wait3A_33 : memref<512x128xf32, #tpu.memory_space<hbm>>)
        tpu.yield
      }) : () -> ()
    }
    return
  }
}

module attributes {stable_mosaic.version = 14 : i64} {
  func.func @_sim_exp_body(%arg0: i32, %arg1: memref<512x128xf32, #tpu.memory_space<vmem>>, %arg2: memref<512x128xf32, #tpu.memory_space<vmem>>, %arg3: memref<512xi32, #tpu.memory_space<vmem>>, %arg4: memref<128x128xf32, #tpu.memory_space<vmem>>, %arg5: memref<128x128xf32, #tpu.memory_space<vmem>>, %arg6: memref<512x128xf32, #tpu.memory_space<vmem>>, %arg7: memref<512xf32, #tpu.memory_space<vmem>>, %arg8: memref<512x128xi32, #tpu.memory_space<vmem>>) attributes {dimension_semantics = [#tpu.dimension_semantics<arbitrary>], iteration_bounds = array<i64: 625>, scalar_prefetch = 0 : i64, scratch_operands = 0 : i64, tpu.core_type = #tpu.core_type<tc>, window_params = [{transform_indices = @transform_0, window_bounds = array<i64: 512, 128>}, {transform_indices = @transform_1, window_bounds = array<i64: 512, 128>}, {transform_indices = @transform_2, window_bounds = array<i64: 512>}, {pipeline_mode = #tpu.pipeline_mode<synchronous>, transform_indices = @transform_3, window_bounds = array<i64: 128, 128>}, {pipeline_mode = #tpu.pipeline_mode<synchronous>, transform_indices = @transform_4, window_bounds = array<i64: 128, 128>}, {transform_indices = @transform_5, window_bounds = array<i64: 512, 128>}, {transform_indices = @transform_6, window_bounds = array<i64: 512>}, {transform_indices = @transform_7, window_bounds = array<i64: 512, 128>}]} {
    %get3A = arith.constant 0 : index
    %get3A_0 = arith.constant 0 : index
    %get3A_1 = vector.load %arg1[%get3A, %get3A_0] : memref<512x128xf32, #tpu.memory_space<vmem>>, vector<512x128xf32>
    %get3A_2 = arith.constant 0 : index
    %get3A_3 = arith.constant 0 : index
    %get3A_4 = vector.load %arg4[%get3A_2, %get3A_3] : memref<128x128xf32, #tpu.memory_space<vmem>>, vector<128x128xf32>
    %dot_general3A = arith.constant dense<0.000000e+00> : vector<512x128xf32>
    %dot_general3A_5 = tpu.matmul %get3A_1, %get3A_4, %dot_general3A {dimension_numbers = #tpu.dot_dimension_numbers<[1], [0], [0], [1], [0, 0, 1, 1], [], []>, transpose_lhs_hint = false} : vector<512x128xf32>, vector<128x128xf32>, vector<512x128xf32> -> vector<512x128xf32>
    %get3A_6 = arith.constant 0 : index
    %get3A_7 = arith.constant 0 : index
    %get3A_8 = vector.load %arg2[%get3A_6, %get3A_7] : memref<512x128xf32, #tpu.memory_space<vmem>>, vector<512x128xf32>
    %get3A_9 = arith.constant 0 : index
    %get3A_10 = arith.constant 0 : index
    %get3A_11 = vector.load %arg5[%get3A_9, %get3A_10] : memref<128x128xf32, #tpu.memory_space<vmem>>, vector<128x128xf32>
    %dot_general3A_12 = arith.constant dense<0.000000e+00> : vector<512x128xf32>
    %dot_general3A_13 = tpu.matmul %get3A_8, %get3A_11, %dot_general3A_12 {dimension_numbers = #tpu.dot_dimension_numbers<[1], [0], [0], [1], [0, 0, 1, 1], [], []>, transpose_lhs_hint = false} : vector<512x128xf32>, vector<128x128xf32>, vector<512x128xf32> -> vector<512x128xf32>
    %mul3A = arith.mulf %dot_general3A_5, %dot_general3A_13 : vector<512x128xf32>
    %reduce_sum3A = arith.constant dense<0.000000e+00> : vector<512xf32>
    %reduce_sum3A_14 = vector.multi_reduction <add>, %mul3A, %reduce_sum3A [1] : vector<512x128xf32> to vector<512xf32>
    %exp3A = math.exp %reduce_sum3A_14 : vector<512xf32>
    %broadcast_in_dim3A = vector.shape_cast %exp3A : vector<512xf32> to vector<512x1xf32>
    %mul3A_15 = vector.broadcast %broadcast_in_dim3A : vector<512x1xf32> to vector<512x128xf32>
    %mul3A_16 = arith.mulf %get3A_1, %mul3A_15 : vector<512x128xf32>
    %swap3A = arith.constant 0 : index
    %swap3A_17 = arith.constant 0 : index
    %swap3A_18 = vector.load %arg6[%swap3A, %swap3A_17] : memref<512x128xf32, #tpu.memory_space<vmem>>, vector<512x128xf32>
    tpu.vector_store %arg6[%swap3A, %swap3A_17], %mul3A_16 {strides = array<i32>} : memref<512x128xf32, #tpu.memory_space<vmem>>, vector<512x128xf32>,
    %swap3A_19 = arith.constant 0 : index
    %swap3A_20 = vector.load %arg7[%swap3A_19] : memref<512xf32, #tpu.memory_space<vmem>>, vector<512xf32>
    tpu.vector_store %arg7[%swap3A_19], %exp3A {strides = array<i32>} : memref<512xf32, #tpu.memory_space<vmem>>, vector<512xf32>,
    %iota3A = tpu.iota {dimensions = array<i32: 1>} : vector<512x128xi32>
    %get3A_21 = arith.constant 0 : index
    %get3A_22 = vector.load %arg3[%get3A_21] : memref<512xi32, #tpu.memory_space<vmem>>, vector<512xi32>
    %broadcast_in_dim3A_23 = vector.shape_cast %get3A_22 : vector<512xi32> to vector<512x1xi32>
    %mul3A_24 = arith.constant 128 : i32
    %mul3A_25 = vector.broadcast %mul3A_24 : i32 to vector<512x1xi32>
    %mul3A_26 = arith.muli %broadcast_in_dim3A_23, %mul3A_25 : vector<512x1xi32>
    %add3A = vector.broadcast %mul3A_26 : vector<512x1xi32> to vector<512x128xi32>
    %add3A_27 = arith.addi %add3A, %iota3A : vector<512x128xi32>
    %swap3A_28 = arith.constant 0 : index
    %swap3A_29 = arith.constant 0 : index
    %swap3A_30 = vector.load %arg8[%swap3A_28, %swap3A_29] : memref<512x128xi32, #tpu.memory_space<vmem>>, vector<512x128xi32>
    tpu.vector_store %arg8[%swap3A_28, %swap3A_29], %add3A_27 {strides = array<i32>} : memref<512x128xi32, #tpu.memory_space<vmem>>, vector<512x128xi32>,
    return
  }
  func.func @transform_0(%arg0: i32) -> (i32, i32) {
    %c0_i32 = arith.constant 0 : i32
    %c0_i32_0 = arith.constant 0 : i32
    return %arg0, %c0_i32 : i32, i32
  }
  func.func @transform_1(%arg0: i32) -> (i32, i32) {
    %c0_i32 = arith.constant 0 : i32
    %c0_i32_0 = arith.constant 0 : i32
    return %arg0, %c0_i32 : i32, i32
  }
  func.func @transform_2(%arg0: i32) -> i32 {
    %c0_i32 = arith.constant 0 : i32
    return %arg0 : i32
  }
  func.func @transform_3(%arg0: i32) -> (i32, i32) {
    %c0_i32 = arith.constant 0 : i32
    %c0_i32_0 = arith.constant 0 : i32
    %c0_i32_1 = arith.constant 0 : i32
    return %c0_i32, %c0_i32_0 : i32, i32
  }
  func.func @transform_4(%arg0: i32) -> (i32, i32) {
    %c0_i32 = arith.constant 0 : i32
    %c0_i32_0 = arith.constant 0 : i32
    %c0_i32_1 = arith.constant 0 : i32
    return %c0_i32, %c0_i32_0 : i32, i32
  }
  func.func @transform_5(%arg0: i32) -> (i32, i32) {
    %c0_i32 = arith.constant 0 : i32
    %c0_i32_0 = arith.constant 0 : i32
    return %arg0, %c0_i32 : i32, i32
  }
  func.func @transform_6(%arg0: i32) -> i32 {
    %c0_i32 = arith.constant 0 : i32
    return %arg0 : i32
  }
  func.func @transform_7(%arg0: i32) -> (i32, i32) {
    %c0_i32 = arith.constant 0 : i32
    %c0_i32_0 = arith.constant 0 : i32
    return %arg0, %c0_i32 : i32, i32
  }
}

module attributes {stable_mosaic.version = 14 : i64} {
  func.func @_out_body(%arg0: i32, %arg1: memref<2000x128xf32, #tpu.memory_space<vmem>>, %arg2: memref<2000x128xf32, #tpu.memory_space<vmem>>, %arg3: memref<128x128xf32, #tpu.memory_space<vmem>>, %arg4: memref<128x128xf32, #tpu.memory_space<vmem>>, %arg5: memref<2000x128xf32, #tpu.memory_space<vmem>>) attributes {dimension_semantics = [#tpu.dimension_semantics<arbitrary>], iteration_bounds = array<i64: 160>, scalar_prefetch = 0 : i64, scratch_operands = 0 : i64, tpu.core_type = #tpu.core_type<tc>, window_params = [{transform_indices = @transform_0, window_bounds = array<i64: 2000, 128>}, {transform_indices = @transform_1, window_bounds = array<i64: 2000, 128>}, {pipeline_mode = #tpu.pipeline_mode<synchronous>, transform_indices = @transform_2, window_bounds = array<i64: 128, 128>}, {pipeline_mode = #tpu.pipeline_mode<synchronous>, transform_indices = @transform_3, window_bounds = array<i64: 128, 128>}, {transform_indices = @transform_4, window_bounds = array<i64: 2000, 128>}]} {
    %get3A = arith.constant 0 : index
    %get3A_0 = arith.constant 0 : index
    %get3A_1 = vector.load %arg1[%get3A, %get3A_0] : memref<2000x128xf32, #tpu.memory_space<vmem>>, vector<2000x128xf32>
    %get3A_2 = arith.constant 0 : index
    %get3A_3 = arith.constant 0 : index
    %get3A_4 = vector.load %arg3[%get3A_2, %get3A_3] : memref<128x128xf32, #tpu.memory_space<vmem>>, vector<128x128xf32>
    %dot_general3A = arith.constant dense<0.000000e+00> : vector<2000x128xf32>
    %dot_general3A_5 = tpu.matmul %get3A_1, %get3A_4, %dot_general3A {dimension_numbers = #tpu.dot_dimension_numbers<[1], [0], [0], [1], [0, 0, 1, 1], [], []>, transpose_lhs_hint = false} : vector<2000x128xf32>, vector<128x128xf32>, vector<2000x128xf32> -> vector<2000x128xf32>
    %get3A_6 = arith.constant 0 : index
    %get3A_7 = arith.constant 0 : index
    %get3A_8 = vector.load %arg4[%get3A_6, %get3A_7] : memref<128x128xf32, #tpu.memory_space<vmem>>, vector<128x128xf32>
    %dot_general3A_9 = arith.constant dense<0.000000e+00> : vector<2000x128xf32>
    %dot_general3A_10 = tpu.matmul %dot_general3A_5, %get3A_8, %dot_general3A_9 {dimension_numbers = #tpu.dot_dimension_numbers<[1], [1], [0], [0], [0, 0, 1, 0], [], []>, transpose_lhs_hint = false} : vector<2000x128xf32>, vector<128x128xf32>, vector<2000x128xf32> -> vector<2000x128xf32>
    %get3A_11 = arith.constant 0 : index
    %get3A_12 = arith.constant 0 : index
    %get3A_13 = vector.load %arg2[%get3A_11, %get3A_12] : memref<2000x128xf32, #tpu.memory_space<vmem>>, vector<2000x128xf32>
    %add3A = arith.addf %dot_general3A_10, %get3A_13 : vector<2000x128xf32>
    %max3A = arith.constant 0.000000e+00 : f32
    %max3A_14 = vector.broadcast %max3A : f32 to vector<2000x128xf32>
    %max3A_15 = arith.maximumf %add3A, %max3A_14 : vector<2000x128xf32>
    %swap3A = arith.constant 0 : index
    %swap3A_16 = arith.constant 0 : index
    %swap3A_17 = vector.load %arg5[%swap3A, %swap3A_16] : memref<2000x128xf32, #tpu.memory_space<vmem>>, vector<2000x128xf32>
    tpu.vector_store %arg5[%swap3A, %swap3A_16], %max3A_15 {strides = array<i32>} : memref<2000x128xf32, #tpu.memory_space<vmem>>, vector<2000x128xf32>,
    return
  }
  func.func @transform_0(%arg0: i32) -> (i32, i32) {
    %c0_i32 = arith.constant 0 : i32
    %c0_i32_0 = arith.constant 0 : i32
    return %arg0, %c0_i32 : i32, i32
  }
  func.func @transform_1(%arg0: i32) -> (i32, i32) {
    %c0_i32 = arith.constant 0 : i32
    %c0_i32_0 = arith.constant 0 : i32
    return %arg0, %c0_i32 : i32, i32
  }
  func.func @transform_2(%arg0: i32) -> (i32, i32) {
    %c0_i32 = arith.constant 0 : i32
    %c0_i32_0 = arith.constant 0 : i32
    %c0_i32_1 = arith.constant 0 : i32
    return %c0_i32, %c0_i32_0 : i32, i32
  }
  func.func @transform_3(%arg0: i32) -> (i32, i32) {
    %c0_i32 = arith.constant 0 : i32
    %c0_i32_0 = arith.constant 0 : i32
    %c0_i32_1 = arith.constant 0 : i32
    return %c0_i32, %c0_i32_0 : i32, i32
  }
  func.func @transform_4(%arg0: i32) -> (i32, i32) {
    %c0_i32 = arith.constant 0 : i32
    %c0_i32_0 = arith.constant 0 : i32
    return %arg0, %c0_i32 : i32, i32
  }
}

module attributes {stable_mosaic.version = 14 : i64} {
  func.func @_user_mlp_body(%arg0: memref<2x10000x128xf32, #tpu.memory_space<vmem>>, %arg1: memref<2x10000xf32, #tpu.memory_space<vmem>>, %arg2: memref<128x128xf32, #tpu.memory_space<vmem>>, %arg3: memref<128xf32, #tpu.memory_space<vmem>>, %arg4: memref<10000x128xf32, #tpu.memory_space<vmem>>) attributes {dimension_semantics = [], scalar_prefetch = 0 : i64, scratch_operands = 0 : i64, tpu.core_type = #tpu.core_type<tc>} {
    %get3A = arith.constant 0 : index
    %get3A_0 = arith.constant 0 : index
    %get3A_1 = arith.constant 0 : index
    %get3A_2 = vector.load %arg0[%get3A, %get3A_0, %get3A_1] : memref<2x10000x128xf32, #tpu.memory_space<vmem>>, vector<1x10000x128xf32>
    %get3A_3 = vector.shape_cast %get3A_2 : vector<1x10000x128xf32> to vector<10000x128xf32>
    %get3A_4 = arith.constant 1 : index
    %get3A_5 = arith.constant 0 : index
    %get3A_6 = arith.constant 0 : index
    %get3A_7 = vector.load %arg0[%get3A_4, %get3A_5, %get3A_6] : memref<2x10000x128xf32, #tpu.memory_space<vmem>>, vector<1x10000x128xf32>
    %get3A_8 = vector.shape_cast %get3A_7 : vector<1x10000x128xf32> to vector<10000x128xf32>
    %add3A = arith.addf %get3A_3, %get3A_8 : vector<10000x128xf32>
    %get3A_9 = arith.constant 0 : index
    %get3A_10 = arith.constant 0 : index
    %get3A_11 = vector.load %arg1[%get3A_9, %get3A_10] : memref<2x10000xf32, #tpu.memory_space<vmem>>, vector<1x10000xf32>
    %get3A_12 = vector.shape_cast %get3A_11 : vector<1x10000xf32> to vector<10000xf32>
    %get3A_13 = arith.constant 1 : index
    %get3A_14 = arith.constant 0 : index
    %get3A_15 = vector.load %arg1[%get3A_13, %get3A_14] : memref<2x10000xf32, #tpu.memory_space<vmem>>, vector<1x10000xf32>
    %get3A_16 = vector.shape_cast %get3A_15 : vector<1x10000xf32> to vector<10000xf32>
    %add3A_17 = arith.addf %get3A_12, %get3A_16 : vector<10000xf32>
    %broadcast_in_dim3A = vector.shape_cast %add3A_17 : vector<10000xf32> to vector<10000x1xf32>
    %div3A = vector.broadcast %broadcast_in_dim3A : vector<10000x1xf32> to vector<10000x128xf32>
    %div3A_18 = arith.divf %add3A, %div3A : vector<10000x128xf32>
    %get3A_19 = arith.constant 0 : index
    %get3A_20 = arith.constant 0 : index
    %get3A_21 = vector.load %arg2[%get3A_19, %get3A_20] : memref<128x128xf32, #tpu.memory_space<vmem>>, vector<128x128xf32>
    %dot_general3A = arith.constant dense<0.000000e+00> : vector<10000x128xf32>
    %dot_general3A_22 = tpu.matmul %div3A_18, %get3A_21, %dot_general3A {dimension_numbers = #tpu.dot_dimension_numbers<[1], [1], [0], [0], [0, 0, 1, 0], [], []>, transpose_lhs_hint = false} : vector<10000x128xf32>, vector<128x128xf32>, vector<10000x128xf32> -> vector<10000x128xf32>
    %get3A_23 = arith.constant 0 : index
    %get3A_24 = vector.load %arg3[%get3A_23] : memref<128xf32, #tpu.memory_space<vmem>>, vector<128xf32>
    %broadcast_in_dim3A_25 = vector.shape_cast %get3A_24 : vector<128xf32> to vector<1x128xf32>
    %add3A_26 = vector.broadcast %broadcast_in_dim3A_25 : vector<1x128xf32> to vector<10000x128xf32>
    %add3A_27 = arith.addf %dot_general3A_22, %add3A_26 : vector<10000x128xf32>
    %swap3A = arith.constant 0 : index
    %swap3A_28 = arith.constant 0 : index
    %swap3A_29 = vector.load %arg4[%swap3A, %swap3A_28] : memref<10000x128xf32, #tpu.memory_space<vmem>>, vector<10000x128xf32>
    tpu.vector_store %arg4[%swap3A, %swap3A_28], %add3A_27 {strides = array<i32>} : memref<10000x128xf32, #tpu.memory_space<vmem>>, vector<10000x128xf32>,
    return
  }
}

</mosaic_0001>

<sc_bundles>
// kernel: kernel.10.cloned.1.call-start
scs
__scs_entry_jumppad:
0x0: {  	(pc) =	sbr.rel $0x88, $3  }
0x1: {  	(tag) =	ssettag $0x0;
	lr =	simm.s32 $0x1  }
0x2: {  	[smem:$0x3F99] =	sst lr;
	_ =	strace $0xD0000000  }
0x3: {  	_ = 	snop  }
0x4: {  	_ = 	snop  }
0x5: {  	_ = 	snop  }
0x6: {  	_ = 	snop  }
0x7: {  	_ = 	snop  }
__scs_overlays_trampoline_lowered:
0x8: {  	[smem:$0x3FA8] =	sst s0  }
0x9: {  	[smem:$0x3FA9] =	sst s1  }
0xa: {  	[smem:$0x3FAA] =	sst s2  }
0xb: {  	[smem:$0x3FAB] =	sst s3  }
0xc: {  	[smem:$0x3FAC] =	sst s4  }
0xd: {  	[smem:$0x3FAD] =	sst s5  }
0xe: {  	[smem:$0x3FAE] =	sst s6  }
0xf: {  	[smem:$0x3FAF] =	sst s7  }
0x10: {  	[smem:$0x3FB0] =	sst s8  }
0x11: {  	[smem:$0x3FB1] =	sst s9;
	s0 =	simm.s32 @!p0 $0x0  }
0x12: {  	s1 =	sld [smem:$0x3F97];
	s0 =	simm.s32 @p0 $0x1  }
0x13: {  	[smem:$0x3FB2] =	sst s0;
	s0 =	simm.s32 @!p1 $0x0  }
0x14: {  	s2 =	sld [smem:$0x3F96];
	s0 =	simm.s32 @p1 $0x1  }
0x15: {  	[smem:$0x3FB3] =	sst s0;
	s0 =	simm.s32 @!p2 $0x0  }
0x16: {  	s3 =	sld [smem:$0x3FDB];
	s0 =	simm.s32 @p2 $0x1  }
0x17: {  	s4 =	simm.s32 $0x1BF5;
	[smem:$0x3FB5] =	sst s0  }
0x18: {  	s0 =	sld [smem:$0x3F98];
	_ =	swait.ge [sflag:s4], $0x0  }
0x19: {  	s7 =	sld [smem:$0x3F99]  }
0x1a: {  	s8 =	sadd.s32 $0xFFFFE003, lr  }
0x1b: {  	s9 =	sadd.s32 $0xFFFFFEF7, lr;
	s5 =	simm.s32 $0xFFFFFFFF;
	p2 =	slt.u32 s8, $0xFFFFF086  }
0x1c: {  	p1 =	slt.u32 s9, $0xF7A;
	s5 =	simm.s32 @!p2 $0x0  }
0x1d: {  	s5 =	simm.s32 @p1 $0x1;
	p0 =	seq.s32 s7, s2  }
0x1e: {  	s7 =	smul.u32 @!p0 $0xF7A, s2;
	p2 =	seq.s32 @!p0 s5, $0x0  }
0x1f: {  	s9 =	smul.u32 $0xF7A, s1;
	s8 =	simm.s32 @!p0 $0x1BF5;
	p2 =	por !p2, p0  }
0x20: {  	[sflag:s8] =	ssyncset.s32 @!p0 $0xFFFFF086;
	s6 =	sadd.s32 @!p0 s3, s7;
	s7 =	simm.s32 @!p0 $0x108  }
0x21: {  	s3 =	sadd.s32 s3, s9;
	s6 =	sadd.s32 @!p0 $0x88, s6;
	s7 =	simm.s32 @p2 $0x1082  }
0x22: {  	[simem:s7], [sflag:s8] =	dma.local @!p0 [hbm:s6], $0xF7A  }
0x23: {  	s9 =	sor.u32 $0xD0000000, s2;
	s6 =	simm.s32 $0x108;
	_ =	swait.ge @!p0 [sflag:s8], $0x0  }
0x24: {  	s3 =	sadd.s32 $0x88, s3;
	s6 =	simm.s32 @!p1 $0x1082;
	[sflag:s4] =	ssyncset.s32 $0xFFFFF086  }
0x25: {  	[simem:s6], [sflag:s4] =	dma.local [hbm:s3], $0xF7A  }
0x26: {  	[smem:$0x3F99] =	sst s1;
	(tag) =	ssettag s2;
	_ =	strace s9  }
0x27: {  	s1 =	sld [smem:$0x3FA9]  }
0x28: {  	s2 =	sld [smem:$0x3FAA]  }
0x29: {  	s4 =	sld [smem:$0x3FAC]  }
0x2a: {  	p0 =	seq.s32 s5, $0x0;
	s5 =	sld [smem:$0x3FAD]  }
0x2b: {  	s6 =	sld [smem:$0x3FAE]  }
0x2c: {  	s7 =	sld [smem:$0x3FAF]  }
0x2d: {  	s3 =	simm.s32 $0x108;
	s8 =	sld [smem:$0x3FB0]  }
0x2e: {  	s3 =	simm.s32 @!p0 $0x1082;
	s9 =	sld [smem:$0x3FB1]  }
0x2f: {  	lr =	sadd.s32 s0, s3;
	s0 =	sld [smem:$0x3FA8]  }
0x30: {  	s3 =	sld [smem:$0x3FAB]  }
0x31: {  	[smem:$0x3FB4] =	sst s10  }
0x32: {  	s10 =	sld [smem:$0x3FB2];
	_ =	sdelay $0x3  }
0x33: {  	p0 =	seq.s32 s10, $0x1;
	s10 =	sld [smem:$0x3FB4];
	_ =	sdelay $0x3  }
0x34: {  	[smem:$0x3FB4] =	sst s10  }
0x35: {  	s10 =	sld [smem:$0x3FB3];
	_ =	sdelay $0x3  }
0x36: {  	p1 =	seq.s32 s10, $0x1;
	s10 =	sld [smem:$0x3FB4];
	_ =	sdelay $0x3  }
0x37: {  	[smem:$0x3FB4] =	sst s10  }
0x38: {  	s10 =	sld [smem:$0x3FB5]  }
0x39: {  	_ = 	snop;
	(pc) =	sbr.ind lr, $3  }
0x3a: {  	_ = 	snop  }
0x3b: {  	_ = 	snop  }
0x3c: {  	p2 =	seq.s32 s10, $0x1;
	s10 =	sld [smem:$0x3FB4]  }
0x3d: {  	_ =	shalt  }
0x3e: {  	_ =	shalt  }
0x3f: {  	_ =	shalt  }
0x40: {  	_ =	shalt  }
0x41: {  	_ =	shalt  }
0x42: {  	_ =	shalt  }
0x43: {  	_ =	shalt  }
0x44: {  	_ =	shalt  }
0x45: {  	_ =	shalt  }
0x46: {  	_ =	shalt  }
0x47: {  	_ =	shalt  }
0x48: {  	_ =	shalt  }
0x49: {  	_ =	shalt  }
0x4a: {  	_ =	shalt  }
0x4b: {  	_ =	shalt  }
0x4c: {  	_ =	shalt  }
0x4d: {  	_ =	shalt  }
0x4e: {  	_ =	shalt  }
0x4f: {  	_ =	shalt  }
0x50: {  	_ =	shalt  }
0x51: {  	_ =	shalt  }
0x52: {  	_ =	shalt  }
0x53: {  	_ =	shalt  }
0x54: {  	_ =	shalt  }
0x55: {  	_ =	shalt  }
0x56: {  	_ =	shalt  }
0x57: {  	_ =	shalt  }
0x58: {  	_ =	shalt  }
0x59: {  	_ =	shalt  }
0x5a: {  	_ =	shalt  }
0x5b: {  	_ =	shalt  }
0x5c: {  	_ =	shalt  }
0x5d: {  	_ =	shalt  }
0x5e: {  	_ =	shalt  }
0x5f: {  	_ =	shalt  }
0x60: {  	_ =	shalt  }
0x61: {  	_ =	shalt  }
0x62: {  	_ =	shalt  }
0x63: {  	_ =	shalt  }
0x64: {  	_ =	shalt  }
0x65: {  	_ =	shalt  }
0x66: {  	_ =	shalt  }
0x67: {  	_ =	shalt  }
0x68: {  	_ =	shalt  }
0x69: {  	_ =	shalt  }
0x6a: {  	_ =	shalt  }
0x6b: {  	_ =	shalt  }
0x6c: {  	_ =	shalt  }
0x6d: {  	_ =	shalt  }
0x6e: {  	_ =	shalt  }
0x6f: {  	_ =	shalt  }
0x70: {  	_ =	shalt  }
0x71: {  	_ =	shalt  }
0x72: {  	_ =	shalt  }
0x73: {  	_ =	shalt  }
0x74: {  	_ =	shalt  }
0x75: {  	_ =	shalt  }
0x76: {  	_ =	shalt  }
0x77: {  	_ =	shalt  }
0x78: {  	_ =	shalt  }
0x79: {  	_ =	shalt  }
0x7a: {  	_ =	shalt  }
0x7b: {  	_ =	shalt  }
0x7c: {  	_ =	shalt  }
0x7d: {  	_ =	shalt  }
0x7e: {  	_ =	shalt  }
0x7f: {  	_ =	shalt  }
0x80: {  	_ =	shalt  }
0x81: {  	_ =	shalt  }
0x82: {  	_ =	shalt  }
0x83: {  	_ =	shalt  }
0x84: {  	_ =	shalt  }
0x85: {  	_ =	shalt  }
0x86: {  	_ =	shalt  }
0x87: {  	_ =	shalt  }
.Lfunc_end0:
.L_simem_size_0:
called_computation.1_lowered:
.L_overlay_start_0:
0x88: {  	s2 =	sld [smem:$0x3FD9]  }
0x89: {  	s3 =	sld [smem:$0x3FFE];
	_ =	sdelay $0x1  }
0x8a: {  	s1 =	srdreg.scid  }
0x8b: {  	s0 =	sand.u32 $0x1, s1  }
0x8c: {  	s17 =	sshll.u32 s0, $0xA;
	s2 =	sadd.s32 s3, s2  }
0x8d: {  	s2 =	sadd.s32 s2, s17  }
0x8e: {  	[smem:$0x3FC0] =	sst s2  }
0x8f: {  	_ = 	snop  }
0x90: {  	s2 =	sld [smem:$0x3FC7]  }
0x91: {  	s18 =	sld [smem:$0x3FD0];
	(tm) =	ssettm $0x1  }
0x92: {  	s4 =	sld [smem:$0x3FFB];
	_ =	sdelay $0x3  }
0x93: {  	_ =	strace s4  }
0x94: {  	s4 =	sld [smem:$0x3FFC];
	_ =	sdelay $0x3  }
0x95: {  	_ =	strace s4  }
0x96: {  	s4 =	sld [smem:$0x3FFD];
	_ =	sdelay $0x3  }
0x97: {  	_ =	strace s4  }
0x98: {  	_ =	strace $0x8FFFFFFF  }
0x99: {  	s19 =	sld [smem:$0x3FDB];
	_ =	sdelay $0x1  }
0x9a: {  	s5 =	simm.s32 $_scs_section_size  }
0x9b: {  	s6 =	simm.s32 $_size__tile_overlayer_lowered;
	s7 =	simm.s32 $_tile_overlayer_lowered  }
0x9c: {  	s22 =	simm.s32 $0x1BFF;
	s21 =	sshll.u32 s7, $0x1;
	s4 =	sadd.s32 s5, s19  }
0x9d: {  	s8 =	simm.s32 $0x0;
	s20 =	sshll.u32 s6, $0x1;
	s6 =	sadd.s32 s21, s4  }
0x9e: {  	[timem:s8], [sflag:s22] =	dma.local [hbm:s6], s20  }
0x9f: {  	_ =	swait.ge [sflag:s22], s20  }
0xa0: {  	s5 =	ssub.s32 $0x0, s20;
	[sflag:s22] =	ssyncset.done $0x0  }
0xa1: {  	[sflag:s22] =	ssyncadd.s32 s5;
	_ =	sdelay $0x1  }
0xa2: {  	s23 =	simm.s32 $0x1B8B  }
0xa3: {  	_ =	swait.ge [sflag:s23], $0x1  }
0xa4: {  	[sflag:s23] =	ssyncset.done $0x0  }
0xa5: {  	s25 =	simm.s32 $0x1B8E;
	s24 =	sld [smem:$0x3FFE];
	[sflag:s23] =	ssyncadd.s32 $0xFFFFFFFF  }
0xa6: {  	s26 =	simm.s32 $execute0_lowered;
	[smem:$0x3FD2] =	sst s25  }
0xa7: {  	s6 =	sshll.u32 s26, $0x1;
	_ =	strace $0x80000049;
	[dreg:$0x1] =	wrdreg $0xFFFFFFFF  }
0xa8: {  	s28 =	simm.s32 $_size_execute0_lowered;
	s4 =	sadd.s32 s4, s6;
	[dreg:$0x0] =	wrdreg $0x0  }
0xa9: {  	s6 =	sshll.u32 s28, $0x1;
	[dreg:$0x2] =	wrdreg s4  }
0xaa: {  	[dreg:$0x3] =	wrdreg s6  }
0xab: {  	[dreg:$0x4] =	wrdreg $0xC0  }
0xac: {  	_ =	task [dreg:s8], $0x5FFFF  }
0xad: {  	[dreg:$0x1] =	wrdreg $0xFFFFFFFF  }
0xae: {  	[dreg:$0x0] =	wrdreg $0x60  }
0xaf: {  	[dreg:$0x2] =	wrdreg s18  }
0xb0: {  	[dreg:$0x3] =	wrdreg s2  }
0xb1: {  	[dreg:$0x4] =	wrdreg s24  }
0xb2: {  	[dreg:$0x5] =	wrdreg $0x9  }
0xb3: {  	_ =	task.clear_ibuf [dreg:s8], $0x6FFFF;
	_ =	strace $0x90000049  }
0xb4: {  	s29 =	simm.s32 $0x9;
	_ =	strace $0x8000004B  }
0xb5: {  	_ =	swait.ge [sflag:s29], $0x1  }
0xb6: {  	[sflag:s29] =	ssyncadd.s32 $0xFFFFFFFF  }
0xb7: {  	_ =	strace $0x9000004B  }
0xb8: {  	_ =	sfence  }
0xb9: {  	s30 =	sld [smem:$0x0];
	_ =	sdelay $0x2  }
0xba: {  	s31 =	sshll.u32 s1, $0xD;
	s1 =	sshrl.u32 s1, $0x2  }
0xbb: {  	s3 =	sand.u32 $0x4000, s31;
	s1 =	sadd.s32 s1, s30  }
0xbc: {  	s0 =	sor.u32 s3, s0;
	s1 =	sshll.u32 s1, $0x11  }
0xbd: {  	s0 =	sor.u32 s1, s0  }
0xbe: {  	s0 =	sadd.s32 $0x8F2B, s0  }
0xbf: {  	[sflag:s0] =	ssyncadd.remote.s32 $0x1  }
0xc0: {  	_ =	sfence.sel $0xFFFF  }
0xc1: {  	[dreg:$0x0] =	wrdreg $0xFFFFFFFF;
	(pc) =	sbr.abs _section_cstart, $3  }
0xc2: {  	[dreg:$0x1] =	wrdreg $0xFFFFFFFF  }
0xc3: {  	_ =	task.clear_ibuf [dreg:s8], $0x2FFFF;
	_ =	strace $0x9FFFFFFF  }
0xc4: {  	(tm) =	ssettm $0x7FFFFFFF  }
0xc5: {  	_ =	shalt  }
tec
execute0_lowered:
.L_overlay_start_1:
0x0: {  	(tag) =	ssettag $0x1  }
0x1: {  	s1 =	srdreg.scid  }
0x2: {  	s0 =	stileid.u32;
	s7 =	rddreg [dreg:$0x1]  }
0x3: {  	s8 =	rddreg [dreg:$0x2];
	s10 =	simm.s32 $0x1;
	s11 =	simm.s32 $0x0  }
0x4: {  	s4 =	sand.u32 $0x1, s1;
	s2 =	smul.u32 $0x26, s0;
	s3 =	sshll.u32 s0, $0x1  }
0x5: {  	s1 =	rddreg [dreg:$0x0];
	s5 =	smul.u32 $0x13, s4;
	s6 =	sor.u32 s4, s3  }
0x6: {  	s3 =	simm.s32 $0x0;
	s4 =	ssub.s32 $0x2, s4;
	s9 =	smin.u32 s6, $0x11  }
0x7: {  	[smem:$0x7FF] =	sst s3;
	s31 =	sshrl.u32 s4, $0x1;
	s5 =	sadd.s32 s5, s2  }
0x8: {  	p0 =	slt.u32 s6, $0x11;
	s2 =	rddreg [dreg:$0x3];
	s9 =	sadd.s32 s9, s5  }
0x9: {  	_ =	strace $0x8000004A;
	s5 =	sshll.u32 s9, $0xD;
	s9 =	sshll.u32 s9, $0x6  }
0xa: {  	s8 =	sadd.s32 s5, s8;
	s5 =	ssub.s32 s4, s31;
	s4 =	simm.s32 $0x14  }
0xb: {  	s7 =	sadd.s32 s9, s7;
	s9 =	simm.s32 $0x200;
	s4 =	simm.s32 @!p0 $0x13  }
0xc: {  	s5 =	smax.u32 s5, $0x1;
	s6 =	sadd.s32 $0x2400, s8;
	s8 =	simm.s32 $0x2  }
.LBB2_1:
0xd: {  	[tilespmem:s3], [sflag:$0x2] =	stream.linear.gather [hbm4b:s7+s3], $0x200, $0x38;
	[tilespmem:$0x10200] =	vst v63  }
0xe: {  	_ =	swait.ge [sflag:s8], $0x200  }
0xf: {  	[sflag:s8] =	ssyncset.done $0x0  }
0x10: {  	[sflag:s8] =	ssyncadd.s32 $0xFFFFFE00  }
0x11: {  	[tilespmem:s9], [sflag:$0x1] =	stream.indirect.gather [hbm4b:s1+s9], $0x80, s3, s9, $0xb8;
	[tilespmem:$0x10200] =	vst v63  }
0x12: {  	p0 =	sne.s32 s4, $0x1;
	_ =	swait.ge [sflag:s10], $0x10000  }
.Ltmp0:
0x13: {  	[sflag:s10] =	ssyncset.done $0x0;
	(pc) =	sbr.rel @!p0 .LBB2_3-.Ltmp0, $4  }
0x14: {  	[sflag:s10] =	ssyncadd.s32 $0xFFFF0000  }
0x15: {  	[hbm4b:s6+s3] =	stream.linear.scatter [tilespmem:s9], [sflag:$0x2], $0x10000, $0x38;
	[tilespmem:$0x10200] =	vst v63  }
0x16: {  	s12 =	sadd.s32 $0xFFFFFFFF, s4;
	_ =	swait.ge [sflag:s8], $0x10000  }
0x17: {  	s13 =	smov.u32 s6;
	s14 =	smov.u32 s7;
	[sflag:s8] =	ssyncset.done $0x0  }
.LBB2_2:
0x18: {  	[sflag:s8] =	ssyncadd.s32 $0xFFFF0000;
	s13 =	sadd.s32 $0x2000, s13;
	s14 =	sadd.s32 $0x40, s14  }
0x19: {  	[tilespmem:s3], [sflag:$0x2] =	stream.linear.gather [hbm4b:s14+s3], $0x200, $0x38;
	[tilespmem:$0x10200] =	vst v63  }
0x1a: {  	p0 =	sne.s32 s12, $0x1;
	s12 =	sadd.s32 $0xFFFFFFFF, s12;
	_ =	swait.ge [sflag:s8], $0x200  }
0x1b: {  	[sflag:s8] =	ssyncset.done $0x0  }
0x1c: {  	[sflag:s8] =	ssyncadd.s32 $0xFFFFFE00  }
0x1d: {  	[tilespmem:s9], [sflag:$0x1] =	stream.indirect.gather [hbm4b:s1+s9], $0x80, s3, s9, $0xb8;
	[tilespmem:$0x10200] =	vst v63  }
0x1e: {  	_ =	swait.ge [sflag:s10], $0x10000  }
.Ltmp1:
0x1f: {  	[sflag:s10] =	ssyncset.done $0x0;
	(pc) =	sbr.rel @p0 .LBB2_2-.Ltmp1, $4  }
0x20: {  	[sflag:s10] =	ssyncadd.s32 $0xFFFF0000  }
0x21: {  	[hbm4b:s13+s3] =	stream.linear.scatter [tilespmem:s9], [sflag:$0x2], $0x10000, $0x38;
	[tilespmem:$0x10200] =	vst v63  }
0x22: {  	_ =	swait.ge [sflag:s8], $0x10000  }
0x23: {  	[sflag:s8] =	ssyncset.done $0x0  }
.LBB2_3:
0x24: {  	s11 =	sadd.s32 $0x1, s11  }
0x25: {  	p0 =	sne.s32 s11, s5  }
.Ltmp2:
0x26: {  	_ = 	snop;
	(pc) =	sbr.rel @p0 .LBB2_1-.Ltmp2, $2  }
0x27: {  	_ =	sdelay $0x2  }
0x28: {  	[sflag:s8] =	ssyncadd.s32 $0xFFFF0000  }
0x29: {  	_ =	sfence.sel $0x180000  }
0x2a: {  	[bflag:$0x0] =	sbarrier.arrive $0xFFFF  }
0x2b: {  	p0 =	sne.s32 s0, $0x0;
	_ =	strace $0x9000004A  }
0x2c: {  	s0 =	sadd.s32 @!p0 $0x100000, s2;
	[bflag:$0x2] =	sbarrier.arrive $0xFFFF  }
0x2d: {  	[sflag:s0] =	ssyncadd.tile.s32 @!p0 $0x1;
	_ =	shalt  }
.Lfunc_end2:
_tile_overlayer_lowered:
.L_overlay_start_2:
0x2e: {  	(tag) =	ssettag $0x2  }
0x2f: {  	s0 =	rddreg [dreg:$0x0];
	s2 =	stileid.u32  }
0x30: {  	s1 =	rddreg [dreg:$0x1];
	p0 =	sne.s32 s2, $0x0  }
0x31: {  	s3 =	rddreg [dreg:$0x2];
	[bflag:$0x3] =	sbarrier.arrive $0xFFFF;
	s2 =	simm.s32 @!p0 $0x1C02  }
0x32: {  	[timem:s3], [sflag:s2] =	dma.local @!p0 [hbm:s0], s1  }
0x33: {  	s0 =	simm.s32 @!p0 $0x2  }
0x34: {  	_ =	swait.ge @!p0 [sflag:s0], s1  }
0x35: {  	s1 =	ssub.s32 @!p0 $0x0, s1;
	[sflag:s0] =	ssyncset.done @!p0 $0x0  }
0x36: {  	[sflag:s0] =	ssyncadd.s32 @!p0 s1  }
0x37: {  	[bflag:$0x3] =	sbarrier.arrive $0xFFFF  }
0x38: {  	_ =	shalt  }

// kernel: kernel.7.cloned.1.call-start
scs
__scs_entry_jumppad:
0x0: {  	(pc) =	sbr.rel $0x88, $3  }
0x1: {  	(tag) =	ssettag $0x0;
	lr =	simm.s32 $0x1  }
0x2: {  	[smem:$0x3F99] =	sst lr;
	_ =	strace $0xD0000000  }
0x3: {  	_ = 	snop  }
0x4: {  	_ = 	snop  }
0x5: {  	_ = 	snop  }
0x6: {  	_ = 	snop  }
0x7: {  	_ = 	snop  }
__scs_overlays_trampoline_lowered:
0x8: {  	[smem:$0x3FA8] =	sst s0  }
0x9: {  	[smem:$0x3FA9] =	sst s1  }
0xa: {  	[smem:$0x3FAA] =	sst s2  }
0xb: {  	[smem:$0x3FAB] =	sst s3  }
0xc: {  	[smem:$0x3FAC] =	sst s4  }
0xd: {  	[smem:$0x3FAD] =	sst s5  }
0xe: {  	[smem:$0x3FAE] =	sst s6  }
0xf: {  	[smem:$0x3FAF] =	sst s7  }
0x10: {  	[smem:$0x3FB0] =	sst s8  }
0x11: {  	[smem:$0x3FB1] =	sst s9;
	s0 =	simm.s32 @!p0 $0x0  }
0x12: {  	s1 =	sld [smem:$0x3F97];
	s0 =	simm.s32 @p0 $0x1  }
0x13: {  	[smem:$0x3FB2] =	sst s0;
	s0 =	simm.s32 @!p1 $0x0  }
0x14: {  	s2 =	sld [smem:$0x3F96];
	s0 =	simm.s32 @p1 $0x1  }
0x15: {  	[smem:$0x3FB3] =	sst s0;
	s0 =	simm.s32 @!p2 $0x0  }
0x16: {  	s3 =	sld [smem:$0x3FDB];
	s0 =	simm.s32 @p2 $0x1  }
0x17: {  	s4 =	simm.s32 $0x1BF5;
	[smem:$0x3FB5] =	sst s0  }
0x18: {  	s0 =	sld [smem:$0x3F98];
	_ =	swait.ge [sflag:s4], $0x0  }
0x19: {  	s7 =	sld [smem:$0x3F99]  }
0x1a: {  	s8 =	sadd.s32 $0xFFFFE003, lr  }
0x1b: {  	s9 =	sadd.s32 $0xFFFFFEF7, lr;
	s5 =	simm.s32 $0xFFFFFFFF;
	p2 =	slt.u32 s8, $0xFFFFF086  }
0x1c: {  	p1 =	slt.u32 s9, $0xF7A;
	s5 =	simm.s32 @!p2 $0x0  }
0x1d: {  	s5 =	simm.s32 @p1 $0x1;
	p0 =	seq.s32 s7, s2  }
0x1e: {  	s7 =	smul.u32 @!p0 $0xF7A, s2;
	p2 =	seq.s32 @!p0 s5, $0x0  }
0x1f: {  	s9 =	smul.u32 $0xF7A, s1;
	s8 =	simm.s32 @!p0 $0x1BF5;
	p2 =	por !p2, p0  }
0x20: {  	[sflag:s8] =	ssyncset.s32 @!p0 $0xFFFFF086;
	s6 =	sadd.s32 @!p0 s3, s7;
	s7 =	simm.s32 @!p0 $0x108  }
0x21: {  	s3 =	sadd.s32 s3, s9;
	s6 =	sadd.s32 @!p0 $0x88, s6;
	s7 =	simm.s32 @p2 $0x1082  }
0x22: {  	[simem:s7], [sflag:s8] =	dma.local @!p0 [hbm:s6], $0xF7A  }
0x23: {  	s9 =	sor.u32 $0xD0000000, s2;
	s6 =	simm.s32 $0x108;
	_ =	swait.ge @!p0 [sflag:s8], $0x0  }
0x24: {  	s3 =	sadd.s32 $0x88, s3;
	s6 =	simm.s32 @!p1 $0x1082;
	[sflag:s4] =	ssyncset.s32 $0xFFFFF086  }
0x25: {  	[simem:s6], [sflag:s4] =	dma.local [hbm:s3], $0xF7A  }
0x26: {  	[smem:$0x3F99] =	sst s1;
	(tag) =	ssettag s2;
	_ =	strace s9  }
0x27: {  	s1 =	sld [smem:$0x3FA9]  }
0x28: {  	s2 =	sld [smem:$0x3FAA]  }
0x29: {  	s4 =	sld [smem:$0x3FAC]  }
0x2a: {  	p0 =	seq.s32 s5, $0x0;
	s5 =	sld [smem:$0x3FAD]  }
0x2b: {  	s6 =	sld [smem:$0x3FAE]  }
0x2c: {  	s7 =	sld [smem:$0x3FAF]  }
0x2d: {  	s3 =	simm.s32 $0x108;
	s8 =	sld [smem:$0x3FB0]  }
0x2e: {  	s3 =	simm.s32 @!p0 $0x1082;
	s9 =	sld [smem:$0x3FB1]  }
0x2f: {  	lr =	sadd.s32 s0, s3;
	s0 =	sld [smem:$0x3FA8]  }
0x30: {  	s3 =	sld [smem:$0x3FAB]  }
0x31: {  	[smem:$0x3FB4] =	sst s10  }
0x32: {  	s10 =	sld [smem:$0x3FB2];
	_ =	sdelay $0x3  }
0x33: {  	p0 =	seq.s32 s10, $0x1;
	s10 =	sld [smem:$0x3FB4];
	_ =	sdelay $0x3  }
0x34: {  	[smem:$0x3FB4] =	sst s10  }
0x35: {  	s10 =	sld [smem:$0x3FB3];
	_ =	sdelay $0x3  }
0x36: {  	p1 =	seq.s32 s10, $0x1;
	s10 =	sld [smem:$0x3FB4];
	_ =	sdelay $0x3  }
0x37: {  	[smem:$0x3FB4] =	sst s10  }
0x38: {  	s10 =	sld [smem:$0x3FB5]  }
0x39: {  	_ = 	snop;
	(pc) =	sbr.ind lr, $3  }
0x3a: {  	_ = 	snop  }
0x3b: {  	_ = 	snop  }
0x3c: {  	p2 =	seq.s32 s10, $0x1;
	s10 =	sld [smem:$0x3FB4]  }
0x3d: {  	_ =	shalt  }
0x3e: {  	_ =	shalt  }
0x3f: {  	_ =	shalt  }
0x40: {  	_ =	shalt  }
0x41: {  	_ =	shalt  }
0x42: {  	_ =	shalt  }
0x43: {  	_ =	shalt  }
0x44: {  	_ =	shalt  }
0x45: {  	_ =	shalt  }
0x46: {  	_ =	shalt  }
0x47: {  	_ =	shalt  }
0x48: {  	_ =	shalt  }
0x49: {  	_ =	shalt  }
0x4a: {  	_ =	shalt  }
0x4b: {  	_ =	shalt  }
0x4c: {  	_ =	shalt  }
0x4d: {  	_ =	shalt  }
0x4e: {  	_ =	shalt  }
0x4f: {  	_ =	shalt  }
0x50: {  	_ =	shalt  }
0x51: {  	_ =	shalt  }
0x52: {  	_ =	shalt  }
0x53: {  	_ =	shalt  }
0x54: {  	_ =	shalt  }
0x55: {  	_ =	shalt  }
0x56: {  	_ =	shalt  }
0x57: {  	_ =	shalt  }
0x58: {  	_ =	shalt  }
0x59: {  	_ =	shalt  }
0x5a: {  	_ =	shalt  }
0x5b: {  	_ =	shalt  }
0x5c: {  	_ =	shalt  }
0x5d: {  	_ =	shalt  }
0x5e: {  	_ =	shalt  }
0x5f: {  	_ =	shalt  }
0x60: {  	_ =	shalt  }
0x61: {  	_ =	shalt  }
0x62: {  	_ =	shalt  }
0x63: {  	_ =	shalt  }
0x64: {  	_ =	shalt  }
0x65: {  	_ =	shalt  }
0x66: {  	_ =	shalt  }
0x67: {  	_ =	shalt  }
0x68: {  	_ =	shalt  }
0x69: {  	_ =	shalt  }
0x6a: {  	_ =	shalt  }
0x6b: {  	_ =	shalt  }
0x6c: {  	_ =	shalt  }
0x6d: {  	_ =	shalt  }
0x6e: {  	_ =	shalt  }
0x6f: {  	_ =	shalt  }
0x70: {  	_ =	shalt  }
0x71: {  	_ =	shalt  }
0x72: {  	_ =	shalt  }
0x73: {  	_ =	shalt  }
0x74: {  	_ =	shalt  }
0x75: {  	_ =	shalt  }
0x76: {  	_ =	shalt  }
0x77: {  	_ =	shalt  }
0x78: {  	_ =	shalt  }
0x79: {  	_ =	shalt  }
0x7a: {  	_ =	shalt  }
0x7b: {  	_ =	shalt  }
0x7c: {  	_ =	shalt  }
0x7d: {  	_ =	shalt  }
0x7e: {  	_ =	shalt  }
0x7f: {  	_ =	shalt  }
0x80: {  	_ =	shalt  }
0x81: {  	_ =	shalt  }
0x82: {  	_ =	shalt  }
0x83: {  	_ =	shalt  }
0x84: {  	_ =	shalt  }
0x85: {  	_ =	shalt  }
0x86: {  	_ =	shalt  }
0x87: {  	_ =	shalt  }
.Lfunc_end0:
.L_simem_size_0:
called_computation_lowered:
.L_overlay_start_0:
0x88: {  	s2 =	sld [smem:$0x3FD9]  }
0x89: {  	s3 =	sld [smem:$0x3FFE];
	_ =	sdelay $0x1  }
0x8a: {  	s1 =	srdreg.scid  }
0x8b: {  	s0 =	sand.u32 $0x1, s1  }
0x8c: {  	s17 =	sshll.u32 s0, $0xA;
	s2 =	sadd.s32 s3, s2  }
0x8d: {  	s2 =	sadd.s32 s2, s17  }
0x8e: {  	[smem:$0x3FC0] =	sst s2  }
0x8f: {  	_ = 	snop  }
0x90: {  	s2 =	sld [smem:$0x3FC7]  }
0x91: {  	s18 =	sld [smem:$0x3FD0];
	(tm) =	ssettm $0x1  }
0x92: {  	s4 =	sld [smem:$0x3FFB];
	_ =	sdelay $0x3  }
0x93: {  	_ =	strace s4  }
0x94: {  	s4 =	sld [smem:$0x3FFC];
	_ =	sdelay $0x3  }
0x95: {  	_ =	strace s4  }
0x96: {  	s4 =	sld [smem:$0x3FFD];
	_ =	sdelay $0x3  }
0x97: {  	_ =	strace s4  }
0x98: {  	_ =	strace $0x8FFFFFFF  }
0x99: {  	s19 =	sld [smem:$0x3FDB];
	_ =	sdelay $0x1  }
0x9a: {  	s5 =	simm.s32 $_scs_section_size  }
0x9b: {  	s6 =	simm.s32 $_size__tile_overlayer_lowered;
	s7 =	simm.s32 $_tile_overlayer_lowered  }
0x9c: {  	s22 =	simm.s32 $0x1BFF;
	s21 =	sshll.u32 s7, $0x1;
	s4 =	sadd.s32 s5, s19  }
0x9d: {  	s8 =	simm.s32 $0x0;
	s20 =	sshll.u32 s6, $0x1;
	s6 =	sadd.s32 s21, s4  }
0x9e: {  	[timem:s8], [sflag:s22] =	dma.local [hbm:s6], s20  }
0x9f: {  	_ =	swait.ge [sflag:s22], s20  }
0xa0: {  	s5 =	ssub.s32 $0x0, s20;
	[sflag:s22] =	ssyncset.done $0x0  }
0xa1: {  	[sflag:s22] =	ssyncadd.s32 s5;
	_ =	sdelay $0x1  }
0xa2: {  	s23 =	simm.s32 $0x1B8B  }
0xa3: {  	_ =	swait.ge [sflag:s23], $0x1  }
0xa4: {  	[sflag:s23] =	ssyncset.done $0x0  }
0xa5: {  	s25 =	simm.s32 $0x1B8E;
	s24 =	sld [smem:$0x3FFE];
	[sflag:s23] =	ssyncadd.s32 $0xFFFFFFFF  }
0xa6: {  	s26 =	simm.s32 $execute0_lowered;
	[smem:$0x3FD2] =	sst s25  }
0xa7: {  	s6 =	sshll.u32 s26, $0x1;
	_ =	strace $0x80000046;
	[dreg:$0x1] =	wrdreg $0xFFFFFFFF  }
0xa8: {  	s28 =	simm.s32 $_size_execute0_lowered;
	s4 =	sadd.s32 s4, s6;
	[dreg:$0x0] =	wrdreg $0x0  }
0xa9: {  	s6 =	sshll.u32 s28, $0x1;
	[dreg:$0x2] =	wrdreg s4  }
0xaa: {  	[dreg:$0x3] =	wrdreg s6  }
0xab: {  	[dreg:$0x4] =	wrdreg $0xC0  }
0xac: {  	_ =	task [dreg:s8], $0x5FFFF  }
0xad: {  	[dreg:$0x1] =	wrdreg $0xFFFFFFFF  }
0xae: {  	[dreg:$0x0] =	wrdreg $0x60  }
0xaf: {  	[dreg:$0x2] =	wrdreg s18  }
0xb0: {  	[dreg:$0x3] =	wrdreg s24  }
0xb1: {  	[dreg:$0x4] =	wrdreg s2  }
0xb2: {  	[dreg:$0x5] =	wrdreg $0x81000  }
0xb3: {  	[dreg:$0x6] =	wrdreg $0x1B9800  }
0xb4: {  	[dreg:$0x7] =	wrdreg $0x9  }
0xb5: {  	_ =	task.clear_ibuf [dreg:s8], $0x8FFFF;
	_ =	strace $0x90000046  }
0xb6: {  	s29 =	simm.s32 $0x9;
	_ =	strace $0x80000048  }
0xb7: {  	_ =	swait.ge [sflag:s29], $0x1  }
0xb8: {  	[sflag:s29] =	ssyncadd.s32 $0xFFFFFFFF  }
0xb9: {  	_ =	strace $0x90000048  }
0xba: {  	_ =	sfence  }
0xbb: {  	s30 =	sld [smem:$0x0];
	_ =	sdelay $0x2  }
0xbc: {  	s31 =	sshll.u32 s1, $0xD;
	s1 =	sshrl.u32 s1, $0x2  }
0xbd: {  	s3 =	sand.u32 $0x4000, s31;
	s1 =	sadd.s32 s1, s30  }
0xbe: {  	s0 =	sor.u32 s3, s0;
	s1 =	sshll.u32 s1, $0x11  }
0xbf: {  	s0 =	sor.u32 s1, s0  }
0xc0: {  	s0 =	sadd.s32 $0x8F2B, s0  }
0xc1: {  	[sflag:s0] =	ssyncadd.remote.s32 $0x1  }
0xc2: {  	_ =	sfence.sel $0xFFFF  }
0xc3: {  	[dreg:$0x0] =	wrdreg $0xFFFFFFFF;
	(pc) =	sbr.abs _section_cstart, $3  }
0xc4: {  	[dreg:$0x1] =	wrdreg $0xFFFFFFFF  }
0xc5: {  	_ =	task.clear_ibuf [dreg:s8], $0x2FFFF;
	_ =	strace $0x9FFFFFFF  }
0xc6: {  	(tm) =	ssettm $0x7FFFFFFF  }
0xc7: {  	_ =	shalt  }
tec
execute0_lowered:
.L_overlay_start_1:
0x0: {  	(tag) =	ssettag $0x1  }
0x1: {  	s0 =	rddreg [dreg:$0x0]  }
0x2: {  	s4 =	rddreg [dreg:$0x1];
	s1 =	srdreg.scid  }
0x3: {  	s18 =	stileid.u32;
	s11 =	rddreg [dreg:$0x2]  }
0x4: {  	s2 =	rddreg [dreg:$0x4];
	s22 =	simm.s32 $0x1;
	s23 =	simm.s32 $0x4000  }
0x5: {  	s28 =	simm.s32 $0x0;
	s5 =	sand.u32 $0x1, s1;
	s3 =	smul.u32 $0x9C, s18  }
0x6: {  	s1 =	rddreg [dreg:$0x3];
	s6 =	sshll.u32 s18, $0x1;
	s24 =	smul.u32 $0x13880, s18  }
0x7: {  	s25 =	sadd.s32 $0x4EE200, s4;
	p0 =	slt.u32 s18, $0x2;
	s7 =	smul.u32 $0x4E, s5  }
0x8: {  	s6 =	sor.u32 s5, s6;
	s8 =	smul.u32 $0x138800, s5;
	s9 =	ssub.s32 $0x2, s5  }
0x9: {  	s29 =	smul.u32 $0x4E2, s5;
	s6 =	smin.u32 s6, $0x4;
	s30 =	sshrl.u32 s9, $0x1  }
0xa: {  	s5 =	sadd.s32 s24, s1;
	s7 =	sadd.s32 s7, s3;
	s3 =	simm.s32 $0x0  }
0xb: {  	s26 =	sadd.s32 s24, s8;
	s17 =	ssub.s32 s9, s30;
	s8 =	sadd.s32 $0xC000, s5  }
0xc: {  	s9 =	sadd.s32 $0x10000, s5;
	s24 =	simm.s32 $0x8000;
	s6 =	sadd.s32 s6, s7  }
0xd: {  	[smem:$0x7FF] =	sst s3;
	s7 =	sadd.s32 $0x8000, s5;
	s17 =	smax.u32 s17, $0x1  }
0xe: {  	s19 =	sshll.u32 s6, $0xB;
	_ =	strace $0x80000047;
	s20 =	sshll.u32 s6, $0x4  }
0xf: {  	[dreg:$0x6] =	wrdreg s25;
	s6 =	sshrl.u32 s26, $0x3;
	s25 =	simm.s32 $0x8080  }
0x10: {  	s26 =	simm.s32 $0x80;
	s21 =	sadd.s32 s19, s4;
	s15 =	sadd.s32 s6, s4  }
0x11: {  	s10 =	sadd.s32 s20, s4;
	s6 =	sadd.s32 $0x4000, s5;
	s12 =	sadd.s32 $0x4EF400, s15  }
0x12: {  	s4 =	sadd.s32 s29, s4;
	s31 =	sadd.s32 $0x4EFC00, s15;
	s13 =	sadd.s32 $0x4F0400, s15  }
0x13: {  	s11 =	sadd.s32 s20, s11;
	s14 =	sadd.s32 $0x4F0C00, s15;
	s15 =	sadd.s32 $0x4F1400, s15  }
0x14: {  	s20 =	sadd.s32 s19, s0;
	s16 =	sadd.s32 $0x4EEA00, s4;
	s10 =	sadd.s32 $0x4E4400, s10  }
0x15: {  	s21 =	sadd.s32 $0x2400, s21;
	[dreg:$0x7] =	wrdreg s12;
	s12 =	simm.s32 $0x4F  }
0x16: {  	[dreg:$0x8] =	wrdreg s31;
	s12 =	simm.s32 @!p0 $0x4E;
	p0 =	sne.s32 s18, $0x0  }
.LBB2_1:
0x17: {  	s0 =	rddreg [dreg:$0x6]  }
0x18: {  	[tilespmem:s3], [sflag:$0x1] =	stream.linear.gather [hbm4b:s0+s3], $0x4000, $0x38;
	[tilespmem:$0x1BBF8] =	vst v63  }
0x19: {  	_ =	swait.ge [sflag:s22], $0x4000  }
0x1a: {  	[sflag:s22] =	ssyncset.done $0x0  }
0x1b: {  	[sflag:s22] =	ssyncadd.s32 $0xFFFFC000  }
0x1c: {  	[spmem:s5] =	stream.linear.scatter [tilespmem:s3], [sflag:$0x1], $0x4000, $0x38;
	[tilespmem:$0x1BBF8] =	vst v63  }
0x1d: {  	_ =	swait.ge [sflag:s22], $0x4000  }
0x1e: {  	[sflag:s22] =	ssyncset.done $0x0  }
0x1f: {  	[sflag:s22] =	ssyncadd.s32 $0xFFFFC000  }
0x20: {  	[spmem:s6] =	stream.linear.scatter [tilespmem:s3], [sflag:$0x1], $0x4000, $0x38;
	[tilespmem:$0x1BBF8] =	vst v63  }
0x21: {  	_ =	swait.ge [sflag:s22], $0x4000  }
0x22: {  	[sflag:s22] =	ssyncset.done $0x0  }
0x23: {  	[sflag:s22] =	ssyncadd.s32 $0xFFFFC000  }
0x24: {  	[spmem:s7] =	stream.linear.scatter [tilespmem:s3], [sflag:$0x1], $0x4000, $0x38;
	[tilespmem:$0x1BBF8] =	vst v63  }
0x25: {  	_ =	swait.ge [sflag:s22], $0x4000  }
0x26: {  	[sflag:s22] =	ssyncset.done $0x0  }
0x27: {  	[sflag:s22] =	ssyncadd.s32 $0xFFFFC000  }
0x28: {  	[spmem:s8] =	stream.linear.scatter [tilespmem:s3], [sflag:$0x1], $0x4000, $0x38;
	[tilespmem:$0x1BBF8] =	vst v63  }
0x29: {  	_ =	swait.ge [sflag:s22], $0x4000  }
0x2a: {  	[sflag:s22] =	ssyncset.done $0x0  }
0x2b: {  	[sflag:s22] =	ssyncadd.s32 $0xFFFFC000  }
0x2c: {  	[spmem:s9] =	stream.linear.scatter [tilespmem:s3], [sflag:$0x1], $0x3880, $0x38;
	[tilespmem:$0x1BBF8] =	vst v63  }
0x2d: {  	_ =	swait.ge [sflag:s22], $0x3880  }
0x2e: {  	[sflag:s22] =	ssyncset.done $0x0  }
0x2f: {  	s30 =	simm.s32 @!p0 $0x0;
	s29 =	simm.s32 @!p0 $0x1;
	[sflag:s22] =	ssyncadd.s32 $0xFFFFC780  }
0x30: {  	[spmem:s2] =	stream.linear.scatter @!p0 [tilespmem:s30], [sflag:$0x1], $0x2710, $0x38;
	[tilespmem:$0x1BBF8] =	vst v63  }
0x31: {  	_ =	swait.ge @!p0 [sflag:s29], $0x2710  }
0x32: {  	[sflag:s29] =	ssyncset.done @!p0 $0x0  }
0x33: {  	[sflag:s29] =	ssyncadd.s32 @!p0 $0xFFFFD8F0  }
0x34: {  	[bflag:$0x0] =	sbarrier.arrive $0xFFFF  }
0x35: {  	[tilespmem:s3], [sflag:$0x1] =	stream.linear.gather [hbm4b:s20+s3], $0x4000, $0x38;
	[tilespmem:$0x1BBF8] =	vst v63  }
0x36: {  	_ =	swait.ge [sflag:s22], $0x4000  }
0x37: {  	[sflag:s22] =	ssyncset.done $0x0  }
0x38: {  	[sflag:s22] =	ssyncadd.s32 $0xFFFFC000  }
0x39: {  	[tilespmem:s23], [sflag:$0x1] =	stream.linear.gather [hbm4b:s21+s3], $0x4000, $0x38;
	[tilespmem:$0x1BBF8] =	vst v63  }
0x3a: {  	_ =	swait.ge [sflag:s22], $0x4000  }
0x3b: {  	[sflag:s22] =	ssyncset.done $0x0  }
0x3c: {  	[sflag:s22] =	ssyncadd.s32 $0xFFFFC000  }
0x3d: {  	[tilespmem:s24], [sflag:$0x1] =	stream.linear.gather [hbm4b:s10+s3], $0x80, $0x38;
	[tilespmem:$0x1BBF8] =	vst v63  }
0x3e: {  	_ =	swait.ge [sflag:s22], $0x80  }
0x3f: {  	[sflag:s22] =	ssyncset.done $0x0  }
0x40: {  	[sflag:s22] =	ssyncadd.s32 $0xFFFFFF80  }
0x41: {  	[tilespmem:s25], [sflag:$0x1] =	stream.linear.gather [hbm4b:s11+s3], $0x80, $0x38;
	[tilespmem:$0x1BBF8] =	vst v63  }
0x42: {  	_ =	swait.ge [sflag:s22], $0x80  }
0x43: {  	[sflag:s22] =	ssyncset.done $0x0  }
0x44: {  	[sflag:s22] =	ssyncadd.s32 $0xFFFFFF80  }
0x45: {  	[spmem:s1] =	stream.indirect.scatter.add.f32 [tilespmem:s3], [sflag:$0x1], $0x1, s23, s23, $0xb8;
	[tilespmem:$0x1BBF8] =	vst v63  }
0x46: {  	p1 =	sne.s32 s12, $0x1;
	_ =	swait.ge [sflag:s22], $0x4000  }
.Ltmp0:
0x47: {  	[sflag:s22] =	ssyncset.done $0x0;
	(pc) =	sbr.rel @!p1 .LBB2_3-.Ltmp0, $4  }
0x48: {  	s31 =	sadd.s32 $0xFFFFFFFF, s12;
	[sflag:s22] =	ssyncadd.s32 $0xFFFFC000  }
0x49: {  	[spmem:s2] =	stream.indirect.scatter.add.f32 [tilespmem:s24], [sflag:$0x1], $0x1, s25, s26, $0xb8;
	[tilespmem:$0x1BBF8] =	vst v63  }
0x4a: {  	s4 =	sadd.s32 $0x800, s21;
	s18 =	smov.u32 s10;
	_ =	swait.ge [sflag:s22], $0x80  }
0x4b: {  	s19 =	smov.u32 s11;
	s0 =	sadd.s32 $0x800, s20;
	[sflag:s22] =	ssyncset.done $0x0  }
.LBB2_2:
0x4c: {  	[sflag:s22] =	ssyncadd.s32 $0xFFFFFF80;
	s18 =	sadd.s32 $0x10, s18;
	s19 =	sadd.s32 $0x10, s19  }
0x4d: {  	[tilespmem:s3], [sflag:$0x1] =	stream.linear.gather [hbm4b:s0+s3], $0x4000, $0x38;
	[tilespmem:$0x1BBF8] =	vst v63  }
0x4e: {  	p1 =	sne.s32 s31, $0x1;
	s31 =	sadd.s32 $0xFFFFFFFF, s31;
	_ =	swait.ge [sflag:s22], $0x4000  }
0x4f: {  	[sflag:s22] =	ssyncset.done $0x0  }
0x50: {  	[sflag:s22] =	ssyncadd.s32 $0xFFFFC000  }
0x51: {  	[tilespmem:s23], [sflag:$0x1] =	stream.linear.gather [hbm4b:s4+s3], $0x4000, $0x38;
	[tilespmem:$0x1BBF8] =	vst v63  }
0x52: {  	_ =	swait.ge [sflag:s22], $0x4000  }
0x53: {  	[sflag:s22] =	ssyncset.done $0x0  }
0x54: {  	[sflag:s22] =	ssyncadd.s32 $0xFFFFC000  }
0x55: {  	[tilespmem:s24], [sflag:$0x1] =	stream.linear.gather [hbm4b:s18+s3], $0x80, $0x38;
	[tilespmem:$0x1BBF8] =	vst v63  }
0x56: {  	_ =	swait.ge [sflag:s22], $0x80  }
0x57: {  	[sflag:s22] =	ssyncset.done $0x0  }
0x58: {  	[sflag:s22] =	ssyncadd.s32 $0xFFFFFF80  }
0x59: {  	[tilespmem:s25], [sflag:$0x1] =	stream.linear.gather [hbm4b:s19+s3], $0x80, $0x38;
	[tilespmem:$0x1BBF8] =	vst v63  }
0x5a: {  	_ =	swait.ge [sflag:s22], $0x80  }
0x5b: {  	[sflag:s22] =	ssyncset.done $0x0  }
0x5c: {  	[sflag:s22] =	ssyncadd.s32 $0xFFFFFF80  }
0x5d: {  	[spmem:s1] =	stream.indirect.scatter.add.f32 [tilespmem:s3], [sflag:$0x1], $0x1, s23, s23, $0xb8;
	[tilespmem:$0x1BBF8] =	vst v63  }
0x5e: {  	_ =	swait.ge [sflag:s22], $0x4000  }
.Ltmp1:
0x5f: {  	[sflag:s22] =	ssyncset.done $0x0;
	(pc) =	sbr.rel @p1 .LBB2_2-.Ltmp1, $4  }
0x60: {  	[sflag:s22] =	ssyncadd.s32 $0xFFFFC000  }
0x61: {  	[spmem:s2] =	stream.indirect.scatter.add.f32 [tilespmem:s24], [sflag:$0x1], $0x1, s25, s26, $0xb8;
	[tilespmem:$0x1BBF8] =	vst v63  }
0x62: {  	_ =	swait.ge [sflag:s22], $0x80  }
0x63: {  	s0 =	sadd.s32 $0x800, s0;
	s4 =	sadd.s32 $0x800, s4;
	[sflag:s22] =	ssyncset.done $0x0  }
.LBB2_3:
0x64: {  	[sflag:s22] =	ssyncadd.s32 $0xFFFFFF80  }
0x65: {  	[bflag:$0x0] =	sbarrier.arrive $0xFFFF  }
0x66: {  	[tilespmem:s3], [sflag:$0x1] =	stream.linear.gather [spmem:s5], $0x4000, $0x38;
	[tilespmem:$0x1BBF8] =	vst v63  }
0x67: {  	_ =	swait.ge [sflag:s22], $0x4000  }
0x68: {  	[sflag:s22] =	ssyncset.done $0x0  }
0x69: {  	s0 =	rddreg [dreg:$0x7];
	[sflag:s22] =	ssyncadd.s32 $0xFFFFC000  }
0x6a: {  	[hbm4b:s0+s3] =	stream.linear.scatter [tilespmem:s3], [sflag:$0x1], $0x4000, $0x38;
	[tilespmem:$0x1BBF8] =	vst v63  }
0x6b: {  	_ =	swait.ge [sflag:s22], $0x4000  }
0x6c: {  	[sflag:s22] =	ssyncset.done $0x0  }
0x6d: {  	[sflag:s22] =	ssyncadd.s32 $0xFFFFC000  }
0x6e: {  	[tilespmem:s3], [sflag:$0x1] =	stream.linear.gather [spmem:s6], $0x4000, $0x38;
	[tilespmem:$0x1BBF8] =	vst v63  }
0x6f: {  	_ =	swait.ge [sflag:s22], $0x4000  }
0x70: {  	[sflag:s22] =	ssyncset.done $0x0  }
0x71: {  	s31 =	rddreg [dreg:$0x8];
	[sflag:s22] =	ssyncadd.s32 $0xFFFFC000  }
0x72: {  	[hbm4b:s31+s3] =	stream.linear.scatter [tilespmem:s3], [sflag:$0x1], $0x4000, $0x38;
	[tilespmem:$0x1BBF8] =	vst v63  }
0x73: {  	_ =	swait.ge [sflag:s22], $0x4000  }
0x74: {  	[sflag:s22] =	ssyncset.done $0x0  }
0x75: {  	[sflag:s22] =	ssyncadd.s32 $0xFFFFC000  }
0x76: {  	[tilespmem:s3], [sflag:$0x1] =	stream.linear.gather [spmem:s7], $0x4000, $0x38;
	[tilespmem:$0x1BBF8] =	vst v63  }
0x77: {  	_ =	swait.ge [sflag:s22], $0x4000  }
0x78: {  	[sflag:s22] =	ssyncset.done $0x0  }
0x79: {  	[sflag:s22] =	ssyncadd.s32 $0xFFFFC000  }
0x7a: {  	[hbm4b:s13+s3] =	stream.linear.scatter [tilespmem:s3], [sflag:$0x1], $0x4000, $0x38;
	[tilespmem:$0x1BBF8] =	vst v63  }
0x7b: {  	_ =	swait.ge [sflag:s22], $0x4000  }
0x7c: {  	[sflag:s22] =	ssyncset.done $0x0  }
0x7d: {  	[sflag:s22] =	ssyncadd.s32 $0xFFFFC000  }
0x7e: {  	[tilespmem:s3], [sflag:$0x1] =	stream.linear.gather [spmem:s8], $0x4000, $0x38;
	[tilespmem:$0x1BBF8] =	vst v63  }
0x7f: {  	_ =	swait.ge [sflag:s22], $0x4000  }
0x80: {  	[sflag:s22] =	ssyncset.done $0x0  }
0x81: {  	[sflag:s22] =	ssyncadd.s32 $0xFFFFC000  }
0x82: {  	[hbm4b:s14+s3] =	stream.linear.scatter [tilespmem:s3], [sflag:$0x1], $0x4000, $0x38;
	[tilespmem:$0x1BBF8] =	vst v63  }
0x83: {  	_ =	swait.ge [sflag:s22], $0x4000  }
0x84: {  	[sflag:s22] =	ssyncset.done $0x0  }
0x85: {  	[sflag:s22] =	ssyncadd.s32 $0xFFFFC000  }
0x86: {  	[tilespmem:s3], [sflag:$0x1] =	stream.linear.gather [spmem:s9], $0x3880, $0x38;
	[tilespmem:$0x1BBF8] =	vst v63  }
0x87: {  	_ =	swait.ge [sflag:s22], $0x3880  }
0x88: {  	[sflag:s22] =	ssyncset.done $0x0  }
0x89: {  	[sflag:s22] =	ssyncadd.s32 $0xFFFFC780  }
0x8a: {  	[hbm4b:s15+s3] =	stream.linear.scatter [tilespmem:s3], [sflag:$0x1], $0x3880, $0x38;
	[tilespmem:$0x1BBF8] =	vst v63  }
0x8b: {  	_ =	swait.ge [sflag:s22], $0x3880  }
0x8c: {  	[sflag:s22] =	ssyncset.done $0x0  }
0x8d: {  	[sflag:s22] =	ssyncadd.s32 $0xFFFFC780  }
0x8e: {  	[tilespmem:s30], [sflag:$0x1] =	stream.linear.gather @!p0 [spmem:s2], $0x2710, $0x38;
	[tilespmem:$0x1BBF8] =	vst v63  }
0x8f: {  	s28 =	sadd.s32 $0x1, s28;
	_ =	swait.ge @!p0 [sflag:s29], $0x2710  }
0x90: {  	p1 =	sne.s32 s28, s17;
	[sflag:s29] =	ssyncset.done @!p0 $0x0  }
.Ltmp2:
0x91: {  	[sflag:s29] =	ssyncadd.s32 @!p0 $0xFFFFD8F0;
	(pc) =	sbr.rel @p1 .LBB2_1-.Ltmp2, $4  }
0x92: {  	[hbm4b:s16+s30] =	stream.linear.scatter @!p0 [tilespmem:s30], [sflag:$0x1], $0x2710, $0x38;
	[tilespmem:$0x1BBF8] =	vst v63  }
0x93: {  	_ =	swait.ge @!p0 [sflag:s29], $0x2710  }
0x94: {  	[sflag:s29] =	ssyncset.done @!p0 $0x0  }
0x95: {  	[sflag:s29] =	ssyncadd.s32 @!p0 $0xFFFFD8F0  }
0x96: {  	_ =	sfence.sel $0x180000  }
0x97: {  	[bflag:$0x0] =	sbarrier.arrive $0xFFFF  }
0x98: {  	_ =	strace $0x90000047  }
0x99: {  	[bflag:$0x2] =	sbarrier.arrive $0xFFFF  }
0x9a: {  	s0 =	rddreg [dreg:$0x5]  }
0x9b: {  	s0 =	sadd.s32 @!p0 $0x100000, s0  }
0x9c: {  	[sflag:s0] =	ssyncadd.tile.s32 @!p0 $0x1;
	_ =	shalt  }
.Lfunc_end2:
_tile_overlayer_lowered:
.L_overlay_start_2:
0x9d: {  	(tag) =	ssettag $0x2  }
0x9e: {  	s0 =	rddreg [dreg:$0x0];
	s2 =	stileid.u32  }
0x9f: {  	s1 =	rddreg [dreg:$0x1];
	p0 =	sne.s32 s2, $0x0  }
0xa0: {  	s3 =	rddreg [dreg:$0x2];
	[bflag:$0x3] =	sbarrier.arrive $0xFFFF;
	s2 =	simm.s32 @!p0 $0x1C01  }
0xa1: {  	[timem:s3], [sflag:s2] =	dma.local @!p0 [hbm:s0], s1  }
0xa2: {  	s0 =	simm.s32 @!p0 $0x1  }
0xa3: {  	_ =	swait.ge @!p0 [sflag:s0], s1  }
0xa4: {  	s1 =	ssub.s32 @!p0 $0x0, s1;
	[sflag:s0] =	ssyncset.done @!p0 $0x0  }
0xa5: {  	[sflag:s0] =	ssyncadd.s32 @!p0 s1  }
0xa6: {  	[bflag:$0x3] =	sbarrier.arrive $0xFFFF  }
0xa7: {  	_ =	shalt  }

</sc_bundles>
